<compile_context>
chip_gen: v7x
topology: tpu7x:2x2x1
jax: 0.10.2.dev20260603
libtpu: 0.0.44.dev20260713+nightly
codegen_flags: <defaults>
</compile_context>

<pallas_src>
import functools

import jax
import jax.numpy as jnp
from jax import lax
from jax.experimental import pallas as pl
from jax.experimental.pallas import tpu as pltpu
from jax.experimental.pallas import tpu_sc as plsc

NC = 1
NS = 16
L = 16
NW = NC * NS
BPW = 320
NSTREAM = BPW * 4 // 128


def _make_gather(k, n):
    tail = k - (NW - 1) * BPW
    assert 0 < tail <= BPW and tail % 8 == 0 and (BPW * 4) % 128 == 0
    tail_g = -(-tail // L)
    tg16 = tail_g * L
    tbase = 3 * k
    mesh = plsc.VectorSubcoreMesh(
        core_axis_name="c", subcore_axis_name="s", num_cores=NC
    )

    @functools.partial(
        pl.kernel,
        mesh=mesh,
        out_type=jax.ShapeDtypeStruct((4 * k,), jnp.int32),
        compiler_params=pltpu.CompilerParams(
            needs_layout_passes=False, use_tc_tiling_on_sc=False,
            disable_bounds_checks=True, disable_semaphore_checks=True,
        ),
        scratch_types=[
            pltpu.VMEM((BPW,), jnp.int32),
            pltpu.VMEM((BPW * 4,), jnp.int32),
            pltpu.VMEM((BPW * 4,), jnp.int32),
            [pltpu.SemaphoreType.DMA] * 4,
        ],
    )
    def gather(packed_hbm, out_hbm, bidx, widx, vals, sems):
        wid = lax.axis_index("s") * NC + lax.axis_index("c")
        base = wid * BPW

        @pl.when(wid < NW - 1)
        def _full():
            pltpu.sync_copy(packed_hbm.at[pl.ds(2 * k + base, BPW)], bidx)
            for g in range(BPW // L):
                b16 = bidx[pl.ds(g * L, L)]
                for c in range(4):
                    widx[pl.ds(c * BPW + g * L, L)] = b16 + (tbase + c * n)
            cps = [
                [
                    pltpu.async_copy(
                        packed_hbm.at[widx.at[pl.ds(c * BPW + o, sz)]],
                        vals.at[pl.ds(c * BPW + o, sz)], sems[c])
                    for o, sz in ((0, 128), (128, 128), (256, BPW - 256))
                ]
                for c in range(4)
            ]
            for c in range(4):
                for cp in cps[c]:
                    cp.wait()
                pltpu.sync_copy(vals.at[pl.ds(c * BPW, BPW)],
                                out_hbm.at[pl.ds(c * k + base, BPW)])

        @pl.when(wid == NW - 1)
        def _short_tail():
            pltpu.sync_copy(packed_hbm.at[pl.ds(2 * k + base, tail)],
                            bidx.at[pl.ds(0, tail)])
            for g in range(tail_g):
                b16 = bidx[pl.ds(g * L, L)]
                b16 = jnp.minimum(jnp.maximum(b16, 0), n - 1)
                for c in range(4):
                    widx[pl.ds(c * tg16 + g * L, L)] = b16 + (tbase + c * n)
            cps = [
                pltpu.async_copy(
                    packed_hbm.at[widx.at[pl.ds(s * 64, 64)]],
                    vals.at[pl.ds(s * 64, 64)], sems[0])
                for s in range(4 * tg16 // 64)
            ]
            for cp in cps:
                cp.wait()
            for c in range(4):
                pltpu.sync_copy(vals.at[pl.ds(c * tg16, tail)],
                                out_hbm.at[pl.ds(c * k + base, tail)])

    return gather


def kernel(selected_indices, xyxy_boxes):
    k = selected_indices.shape[0]
    n = xyxy_boxes.shape[1]
    sel_t = selected_indices.astype(jnp.int32).T
    table_i = lax.bitcast_convert_type(xyxy_boxes[0].T, jnp.int32)
    packed = jnp.concatenate([sel_t.reshape(-1), table_i.reshape(-1)])
    out = _make_gather(k, n)(packed)
    return lax.bitcast_convert_type(out.reshape(4, k).T, jnp.float32)

# --- scband reference (transcript-rebuilt; emitter-appended) ---
"""Pipeline reference for scband-make-selected-boxes-41644002902369 (READ-ONLY COPY).

The authoritative reference and input builder live on the scoring server;
editing this copy changes nothing except your own understanding.
"""

import jax, jax.numpy as jnp
import numpy as np

def setup_inputs(seed: int = 0) -> dict:
    key = jax.random.key(seed)
    k1, k2 = jax.random.split(key)
    selected_indices = jax.random.randint(k1, (5000, 3), 0, 20000, dtype=jnp.int64 if jax.config.jax_enable_x64 else jnp.int32)
    xyxy_boxes = jax.random.normal(k2, (1, 20000, 4), dtype=jnp.float32)
    return {"selected_indices": selected_indices, "xyxy_boxes": xyxy_boxes}

def reference(selected_indices, xyxy_boxes):
    # selected_indices: [K, 3], column 2 holds the box index
    # xyxy_boxes: [1, N, 4]
    box_idx = selected_indices[:, 2]
    selected_boxes = jnp.take(xyxy_boxes[0], box_idx, axis=0)
    return selected_boxes

if __name__ == "__main__":
    import jax
    _d = setup_inputs()
    print(jax.jit(kernel)(*tuple(_d.values())))

</pallas_src>

<mosaic_0001>
#map = affine_map<(d0, d1) -> (0)>
module attributes {stable_mosaic.version = 14 : i64} {
  func.func @gather(%arg0: i32, %arg1: i32, %arg2: memref<95000xi32, #tpu.memory_space<hbm>>, %arg3: memref<20000xi32, #tpu.memory_space<hbm>>, %arg4: memref<320xi32, #tpu.memory_space<vmem>>, %arg5: memref<1280xi32, #tpu.memory_space<vmem>>, %arg6: memref<1280xi32, #tpu.memory_space<vmem>>, %arg7: memref<!tpu.dma_semaphore, #tpu.memory_space<semaphore_mem>>, %arg8: memref<!tpu.dma_semaphore, #tpu.memory_space<semaphore_mem>>, %arg9: memref<!tpu.dma_semaphore, #tpu.memory_space<semaphore_mem>>, %arg10: memref<!tpu.dma_semaphore, #tpu.memory_space<semaphore_mem>>) attributes {dimension_semantics = [#tpu.dimension_semantics<core_parallel>, #tpu.dimension_semantics<subcore_parallel>], iteration_bounds = array<i64: 1, 16>, scalar_prefetch = 0 : i64, scratch_operands = 7 : i64, tpu.core_type = #tpu.core_type<sc_vector_subcore>, window_params = [{transform_indices = #map}, {transform_indices = #map}]} {
    %mul3A = arith.constant 1 : i32
    %mul3A_0 = arith.muli %arg1, %mul3A : i32
    %add3A = arith.addi %mul3A_0, %arg0 : i32
    %mul3A_1 = arith.constant 320 : i32
    %mul3A_2 = arith.muli %add3A, %mul3A_1 : i32
    %lt3A = arith.constant 15 : i32
    %lt3A_3 = arith.cmpi slt, %add3A, %lt3A : i32
    %convert_element_type3A = arith.extui %lt3A_3 : i1 to i32
    %cond3A = arith.constant 0 : i32
    %cond3A_4 = arith.cmpi ne, %convert_element_type3A, %cond3A : i32
    scf.if %cond3A_4 {
      %add3A_9 = arith.constant 10000 : i32
      %add3A_10 = arith.addi %add3A_9, %mul3A_2 : i32
      "tpu.region"() ({
        %run_scoped3A = tpu.sem_alloc : memref<!tpu.dma_semaphore, #tpu.memory_space<semaphore_mem>>
        %dma_start3A_599 = tpu.memref_slice %arg2[%add3A_10] : memref<95000xi32, #tpu.memory_space<hbm>> -> memref<320xi32, #tpu.memory_space<hbm>>
        %dma_start3A_600 = tpu.memref_slice %arg2[%add3A_10] : memref<95000xi32, #tpu.memory_space<hbm>> -> memref<320xi32, #tpu.memory_space<hbm>>
        tpu.enqueue_dma source(%dma_start3A_600 : memref<320xi32, #tpu.memory_space<hbm>>) target(%arg4 : memref<320xi32, #tpu.memory_space<vmem>>) target_semaphore(%run_scoped3A : memref<!tpu.dma_semaphore, #tpu.memory_space<semaphore_mem>>)
        %dma_wait3A_601 = tpu.memref_slice %arg2[%add3A_10] : memref<95000xi32, #tpu.memory_space<hbm>> -> memref<320xi32, #tpu.memory_space<hbm>>
        %dma_wait3A_602 = tpu.memref_slice %arg2[%add3A_10] : memref<95000xi32, #tpu.memory_space<hbm>> -> memref<320xi32, #tpu.memory_space<hbm>>
        tpu.wait_dma2 semaphore(%run_scoped3A : memref<!tpu.dma_semaphore, #tpu.memory_space<semaphore_mem>>) src(%dma_wait3A_602 : memref<320xi32, #tpu.memory_space<hbm>>) dst(%arg4 : memref<320xi32, #tpu.memory_space<vmem>>)
        tpu.yield
      }) : () -> ()
      %get3A = arith.constant 0 : index
      %get3A_11 = tpu.vector_load %arg4[%get3A] {strides = array<i32>} : memref<320xi32, #tpu.memory_space<vmem>>, vector<16xi32>,
      %add3A_12 = arith.constant 15000 : i32
      %add3A_13 = vector.broadcast %add3A_12 : i32 to vector<16xi32>
      %add3A_14 = arith.addi %get3A_11, %add3A_13 : vector<16xi32>
      %swap3A = arith.constant 0 : index
      %swap3A_15 = tpu.vector_load %arg5[%swap3A] {strides = array<i32>} : memref<1280xi32, #tpu.memory_space<vmem>>, vector<16xi32>,
      tpu.vector_store %arg5[%swap3A], %add3A_14 {strides = array<i32>} : memref<1280xi32, #tpu.memory_space<vmem>>, vector<16xi32>,
      %add3A_16 = arith.constant 35000 : i32
      %add3A_17 = vector.broadcast %add3A_16 : i32 to vector<16xi32>
      %add3A_18 = arith.addi %get3A_11, %add3A_17 : vector<16xi32>
      %swap3A_19 = arith.constant 320 : index
      %swap3A_20 = tpu.vector_load %arg5[%swap3A_19] {strides = array<i32>} : memref<1280xi32, #tpu.memory_space<vmem>>, vector<16xi32>,
      tpu.vector_store %arg5[%swap3A_19], %add3A_18 {strides = array<i32>} : memref<1280xi32, #tpu.memory_space<vmem>>, vector<16xi32>,
      %add3A_21 = arith.constant 55000 : i32
      %add3A_22 = vector.broadcast %add3A_21 : i32 to vector<16xi32>
      %add3A_23 = arith.addi %get3A_11, %add3A_22 : vector<16xi32>
      %swap3A_24 = arith.constant 640 : index
      %swap3A_25 = tpu.vector_load %arg5[%swap3A_24] {strides = array<i32>} : memref<1280xi32, #tpu.memory_space<vmem>>, vector<16xi32>,
      tpu.vector_store %arg5[%swap3A_24], %add3A_23 {strides = array<i32>} : memref<1280xi32, #tpu.memory_space<vmem>>, vector<16xi32>,
      %add3A_26 = arith.constant 75000 : i32
      %add3A_27 = vector.broadcast %add3A_26 : i32 to vector<16xi32>
      %add3A_28 = arith.addi %get3A_11, %add3A_27 : vector<16xi32>
      %swap3A_29 = arith.constant 960 : index
      %swap3A_30 = tpu.vector_load %arg5[%swap3A_29] {strides = array<i32>} : memref<1280xi32, #tpu.memory_space<vmem>>, vector<16xi32>,
      tpu.vector_store %arg5[%swap3A_29], %add3A_28 {strides = array<i32>} : memref<1280xi32, #tpu.memory_space<vmem>>, vector<16xi32>,
      %get3A_31 = arith.constant 16 : index
      %get3A_32 = tpu.vector_load %arg4[%get3A_31] {strides = array<i32>} : memref<320xi32, #tpu.memory_space<vmem>>, vector<16xi32>,
      %add3A_33 = arith.constant 15000 : i32
      %add3A_34 = vector.broadcast %add3A_33 : i32 to vector<16xi32>
      %add3A_35 = arith.addi %get3A_32, %add3A_34 : vector<16xi32>
      %swap3A_36 = arith.constant 16 : index
      %swap3A_37 = tpu.vector_load %arg5[%swap3A_36] {strides = array<i32>} : memref<1280xi32, #tpu.memory_space<vmem>>, vector<16xi32>,
      tpu.vector_store %arg5[%swap3A_36], %add3A_35 {strides = array<i32>} : memref<1280xi32, #tpu.memory_space<vmem>>, vector<16xi32>,
      %add3A_38 = arith.constant 35000 : i32
      %add3A_39 = vector.broadcast %add3A_38 : i32 to vector<16xi32>
      %add3A_40 = arith.addi %get3A_32, %add3A_39 : vector<16xi32>
      %swap3A_41 = arith.constant 336 : index
      %swap3A_42 = tpu.vector_load %arg5[%swap3A_41] {strides = array<i32>} : memref<1280xi32, #tpu.memory_space<vmem>>, vector<16xi32>,
      tpu.vector_store %arg5[%swap3A_41], %add3A_40 {strides = array<i32>} : memref<1280xi32, #tpu.memory_space<vmem>>, vector<16xi32>,
      %add3A_43 = arith.constant 55000 : i32
      %add3A_44 = vector.broadcast %add3A_43 : i32 to vector<16xi32>
      %add3A_45 = arith.addi %get3A_32, %add3A_44 : vector<16xi32>
      %swap3A_46 = arith.constant 656 : index
      %swap3A_47 = tpu.vector_load %arg5[%swap3A_46] {strides = array<i32>} : memref<1280xi32, #tpu.memory_space<vmem>>, vector<16xi32>,
      tpu.vector_store %arg5[%swap3A_46], %add3A_45 {strides = array<i32>} : memref<1280xi32, #tpu.memory_space<vmem>>, vector<16xi32>,
      %add3A_48 = arith.constant 75000 : i32
      %add3A_49 = vector.broadcast %add3A_48 : i32 to vector<16xi32>
      %add3A_50 = arith.addi %get3A_32, %add3A_49 : vector<16xi32>
      %swap3A_51 = arith.constant 976 : index
      %swap3A_52 = tpu.vector_load %arg5[%swap3A_51] {strides = array<i32>} : memref<1280xi32, #tpu.memory_space<vmem>>, vector<16xi32>,
      tpu.vector_store %arg5[%swap3A_51], %add3A_50 {strides = array<i32>} : memref<1280xi32, #tpu.memory_space<vmem>>, vector<16xi32>,
      %get3A_53 = arith.constant 32 : index
      %get3A_54 = tpu.vector_load %arg4[%get3A_53] {strides = array<i32>} : memref<320xi32, #tpu.memory_space<vmem>>, vector<16xi32>,
      %add3A_55 = arith.constant 15000 : i32
      %add3A_56 = vector.broadcast %add3A_55 : i32 to vector<16xi32>
      %add3A_57 = arith.addi %get3A_54, %add3A_56 : vector<16xi32>
      %swap3A_58 = arith.constant 32 : index
      %swap3A_59 = tpu.vector_load %arg5[%swap3A_58] {strides = array<i32>} : memref<1280xi32, #tpu.memory_space<vmem>>, vector<16xi32>,
      tpu.vector_store %arg5[%swap3A_58], %add3A_57 {strides = array<i32>} : memref<1280xi32, #tpu.memory_space<vmem>>, vector<16xi32>,
      %add3A_60 = arith.constant 35000 : i32
      %add3A_61 = vector.broadcast %add3A_60 : i32 to vector<16xi32>
      %add3A_62 = arith.addi %get3A_54, %add3A_61 : vector<16xi32>
      %swap3A_63 = arith.constant 352 : index
      %swap3A_64 = tpu.vector_load %arg5[%swap3A_63] {strides = array<i32>} : memref<1280xi32, #tpu.memory_space<vmem>>, vector<16xi32>,
      tpu.vector_store %arg5[%swap3A_63], %add3A_62 {strides = array<i32>} : memref<1280xi32, #tpu.memory_space<vmem>>, vector<16xi32>,
      %add3A_65 = arith.constant 55000 : i32
      %add3A_66 = vector.broadcast %add3A_65 : i32 to vector<16xi32>
      %add3A_67 = arith.addi %get3A_54, %add3A_66 : vector<16xi32>
      %swap3A_68 = arith.constant 672 : index
      %swap3A_69 = tpu.vector_load %arg5[%swap3A_68] {strides = array<i32>} : memref<1280xi32, #tpu.memory_space<vmem>>, vector<16xi32>,
      tpu.vector_store %arg5[%swap3A_68], %add3A_67 {strides = array<i32>} : memref<1280xi32, #tpu.memory_space<vmem>>, vector<16xi32>,
      %add3A_70 = arith.constant 75000 : i32
      %add3A_71 = vector.broadcast %add3A_70 : i32 to vector<16xi32>
      %add3A_72 = arith.addi %get3A_54, %add3A_71 : vector<16xi32>
      %swap3A_73 = arith.constant 992 : index
      %swap3A_74 = tpu.vector_load %arg5[%swap3A_73] {strides = array<i32>} : memref<1280xi32, #tpu.memory_space<vmem>>, vector<16xi32>,
      tpu.vector_store %arg5[%swap3A_73], %add3A_72 {strides = array<i32>} : memref<1280xi32, #tpu.memory_space<vmem>>, vector<16xi32>,
      %get3A_75 = arith.constant 48 : index
      %get3A_76 = tpu.vector_load %arg4[%get3A_75] {strides = array<i32>} : memref<320xi32, #tpu.memory_space<vmem>>, vector<16xi32>,
      %add3A_77 = arith.constant 15000 : i32
      %add3A_78 = vector.broadcast %add3A_77 : i32 to vector<16xi32>
      %add3A_79 = arith.addi %get3A_76, %add3A_78 : vector<16xi32>
      %swap3A_80 = arith.constant 48 : index
      %swap3A_81 = tpu.vector_load %arg5[%swap3A_80] {strides = array<i32>} : memref<1280xi32, #tpu.memory_space<vmem>>, vector<16xi32>,
      tpu.vector_store %arg5[%swap3A_80], %add3A_79 {strides = array<i32>} : memref<1280xi32, #tpu.memory_space<vmem>>, vector<16xi32>,
      %add3A_82 = arith.constant 35000 : i32
      %add3A_83 = vector.broadcast %add3A_82 : i32 to vector<16xi32>
      %add3A_84 = arith.addi %get3A_76, %add3A_83 : vector<16xi32>
      %swap3A_85 = arith.constant 368 : index
      %swap3A_86 = tpu.vector_load %arg5[%swap3A_85] {strides = array<i32>} : memref<1280xi32, #tpu.memory_space<vmem>>, vector<16xi32>,
      tpu.vector_store %arg5[%swap3A_85], %add3A_84 {strides = array<i32>} : memref<1280xi32, #tpu.memory_space<vmem>>, vector<16xi32>,
      %add3A_87 = arith.constant 55000 : i32
      %add3A_88 = vector.broadcast %add3A_87 : i32 to vector<16xi32>
      %add3A_89 = arith.addi %get3A_76, %add3A_88 : vector<16xi32>
      %swap3A_90 = arith.constant 688 : index
      %swap3A_91 = tpu.vector_load %arg5[%swap3A_90] {strides = array<i32>} : memref<1280xi32, #tpu.memory_space<vmem>>, vector<16xi32>,
      tpu.vector_store %arg5[%swap3A_90], %add3A_89 {strides = array<i32>} : memref<1280xi32, #tpu.memory_space<vmem>>, vector<16xi32>,
      %add3A_92 = arith.constant 75000 : i32
      %add3A_93 = vector.broadcast %add3A_92 : i32 to vector<16xi32>
      %add3A_94 = arith.addi %get3A_76, %add3A_93 : vector<16xi32>
      %swap3A_95 = arith.constant 1008 : index
      %swap3A_96 = tpu.vector_load %arg5[%swap3A_95] {strides = array<i32>} : memref<1280xi32, #tpu.memory_space<vmem>>, vector<16xi32>,
      tpu.vector_store %arg5[%swap3A_95], %add3A_94 {strides = array<i32>} : memref<1280xi32, #tpu.memory_space<vmem>>, vector<16xi32>,
      %get3A_97 = arith.constant 64 : index
      %get3A_98 = tpu.vector_load %arg4[%get3A_97] {strides = array<i32>} : memref<320xi32, #tpu.memory_space<vmem>>, vector<16xi32>,
      %add3A_99 = arith.constant 15000 : i32
      %add3A_100 = vector.broadcast %add3A_99 : i32 to vector<16xi32>
      %add3A_101 = arith.addi %get3A_98, %add3A_100 : vector<16xi32>
      %swap3A_102 = arith.constant 64 : index
      %swap3A_103 = tpu.vector_load %arg5[%swap3A_102] {strides = array<i32>} : memref<1280xi32, #tpu.memory_space<vmem>>, vector<16xi32>,
      tpu.vector_store %arg5[%swap3A_102], %add3A_101 {strides = array<i32>} : memref<1280xi32, #tpu.memory_space<vmem>>, vector<16xi32>,
      %add3A_104 = arith.constant 35000 : i32
      %add3A_105 = vector.broadcast %add3A_104 : i32 to vector<16xi32>
      %add3A_106 = arith.addi %get3A_98, %add3A_105 : vector<16xi32>
      %swap3A_107 = arith.constant 384 : index
      %swap3A_108 = tpu.vector_load %arg5[%swap3A_107] {strides = array<i32>} : memref<1280xi32, #tpu.memory_space<vmem>>, vector<16xi32>,
      tpu.vector_store %arg5[%swap3A_107], %add3A_106 {strides = array<i32>} : memref<1280xi32, #tpu.memory_space<vmem>>, vector<16xi32>,
      %add3A_109 = arith.constant 55000 : i32
      %add3A_110 = vector.broadcast %add3A_109 : i32 to vector<16xi32>
      %add3A_111 = arith.addi %get3A_98, %add3A_110 : vector<16xi32>
      %swap3A_112 = arith.constant 704 : index
      %swap3A_113 = tpu.vector_load %arg5[%swap3A_112] {strides = array<i32>} : memref<1280xi32, #tpu.memory_space<vmem>>, vector<16xi32>,
      tpu.vector_store %arg5[%swap3A_112], %add3A_111 {strides = array<i32>} : memref<1280xi32, #tpu.memory_space<vmem>>, vector<16xi32>,
      %add3A_114 = arith.constant 75000 : i32
      %add3A_115 = vector.broadcast %add3A_114 : i32 to vector<16xi32>
      %add3A_116 = arith.addi %get3A_98, %add3A_115 : vector<16xi32>
      %swap3A_117 = arith.constant 1024 : index
      %swap3A_118 = tpu.vector_load %arg5[%swap3A_117] {strides = array<i32>} : memref<1280xi32, #tpu.memory_space<vmem>>, vector<16xi32>,
      tpu.vector_store %arg5[%swap3A_117], %add3A_116 {strides = array<i32>} : memref<1280xi32, #tpu.memory_space<vmem>>, vector<16xi32>,
      %get3A_119 = arith.constant 80 : index
      %get3A_120 = tpu.vector_load %arg4[%get3A_119] {strides = array<i32>} : memref<320xi32, #tpu.memory_space<vmem>>, vector<16xi32>,
      %add3A_121 = arith.constant 15000 : i32
      %add3A_122 = vector.broadcast %add3A_121 : i32 to vector<16xi32>
      %add3A_123 = arith.addi %get3A_120, %add3A_122 : vector<16xi32>
      %swap3A_124 = arith.constant 80 : index
      %swap3A_125 = tpu.vector_load %arg5[%swap3A_124] {strides = array<i32>} : memref<1280xi32, #tpu.memory_space<vmem>>, vector<16xi32>,
      tpu.vector_store %arg5[%swap3A_124], %add3A_123 {strides = array<i32>} : memref<1280xi32, #tpu.memory_space<vmem>>, vector<16xi32>,
      %add3A_126 = arith.constant 35000 : i32
      %add3A_127 = vector.broadcast %add3A_126 : i32 to vector<16xi32>
      %add3A_128 = arith.addi %get3A_120, %add3A_127 : vector<16xi32>
      %swap3A_129 = arith.constant 400 : index
      %swap3A_130 = tpu.vector_load %arg5[%swap3A_129] {strides = array<i32>} : memref<1280xi32, #tpu.memory_space<vmem>>, vector<16xi32>,
      tpu.vector_store %arg5[%swap3A_129], %add3A_128 {strides = array<i32>} : memref<1280xi32, #tpu.memory_space<vmem>>, vector<16xi32>,
      %add3A_131 = arith.constant 55000 : i32
      %add3A_132 = vector.broadcast %add3A_131 : i32 to vector<16xi32>
      %add3A_133 = arith.addi %get3A_120, %add3A_132 : vector<16xi32>
      %swap3A_134 = arith.constant 720 : index
      %swap3A_135 = tpu.vector_load %arg5[%swap3A_134] {strides = array<i32>} : memref<1280xi32, #tpu.memory_space<vmem>>, vector<16xi32>,
      tpu.vector_store %arg5[%swap3A_134], %add3A_133 {strides = array<i32>} : memref<1280xi32, #tpu.memory_space<vmem>>, vector<16xi32>,
      %add3A_136 = arith.constant 75000 : i32
      %add3A_137 = vector.broadcast %add3A_136 : i32 to vector<16xi32>
      %add3A_138 = arith.addi %get3A_120, %add3A_137 : vector<16xi32>
      %swap3A_139 = arith.constant 1040 : index
      %swap3A_140 = tpu.vector_load %arg5[%swap3A_139] {strides = array<i32>} : memref<1280xi32, #tpu.memory_space<vmem>>, vector<16xi32>,
      tpu.vector_store %arg5[%swap3A_139], %add3A_138 {strides = array<i32>} : memref<1280xi32, #tpu.memory_space<vmem>>, vector<16xi32>,
      %get3A_141 = arith.constant 96 : index
      %get3A_142 = tpu.vector_load %arg4[%get3A_141] {strides = array<i32>} : memref<320xi32, #tpu.memory_space<vmem>>, vector<16xi32>,
      %add3A_143 = arith.constant 15000 : i32
      %add3A_144 = vector.broadcast %add3A_143 : i32 to vector<16xi32>
      %add3A_145 = arith.addi %get3A_142, %add3A_144 : vector<16xi32>
      %swap3A_146 = arith.constant 96 : index
      %swap3A_147 = tpu.vector_load %arg5[%swap3A_146] {strides = array<i32>} : memref<1280xi32, #tpu.memory_space<vmem>>, vector<16xi32>,
      tpu.vector_store %arg5[%swap3A_146], %add3A_145 {strides = array<i32>} : memref<1280xi32, #tpu.memory_space<vmem>>, vector<16xi32>,
      %add3A_148 = arith.constant 35000 : i32
      %add3A_149 = vector.broadcast %add3A_148 : i32 to vector<16xi32>
      %add3A_150 = arith.addi %get3A_142, %add3A_149 : vector<16xi32>
      %swap3A_151 = arith.constant 416 : index
      %swap3A_152 = tpu.vector_load %arg5[%swap3A_151] {strides = array<i32>} : memref<1280xi32, #tpu.memory_space<vmem>>, vector<16xi32>,
      tpu.vector_store %arg5[%swap3A_151], %add3A_150 {strides = array<i32>} : memref<1280xi32, #tpu.memory_space<vmem>>, vector<16xi32>,
      %add3A_153 = arith.constant 55000 : i32
      %add3A_154 = vector.broadcast %add3A_153 : i32 to vector<16xi32>
      %add3A_155 = arith.addi %get3A_142, %add3A_154 : vector<16xi32>
      %swap3A_156 = arith.constant 736 : index
      %swap3A_157 = tpu.vector_load %arg5[%swap3A_156] {strides = array<i32>} : memref<1280xi32, #tpu.memory_space<vmem>>, vector<16xi32>,
      tpu.vector_store %arg5[%swap3A_156], %add3A_155 {strides = array<i32>} : memref<1280xi32, #tpu.memory_space<vmem>>, vector<16xi32>,
      %add3A_158 = arith.constant 75000 : i32
      %add3A_159 = vector.broadcast %add3A_158 : i32 to vector<16xi32>
      %add3A_160 = arith.addi %get3A_142, %add3A_159 : vector<16xi32>
      %swap3A_161 = arith.constant 1056 : index
      %swap3A_162 = tpu.vector_load %arg5[%swap3A_161] {strides = array<i32>} : memref<1280xi32, #tpu.memory_space<vmem>>, vector<16xi32>,
      tpu.vector_store %arg5[%swap3A_161], %add3A_160 {strides = array<i32>} : memref<1280xi32, #tpu.memory_space<vmem>>, vector<16xi32>,
      %get3A_163 = arith.constant 112 : index
      %get3A_164 = tpu.vector_load %arg4[%get3A_163] {strides = array<i32>} : memref<320xi32, #tpu.memory_space<vmem>>, vector<16xi32>,
      %add3A_165 = arith.constant 15000 : i32
      %add3A_166 = vector.broadcast %add3A_165 : i32 to vector<16xi32>
      %add3A_167 = arith.addi %get3A_164, %add3A_166 : vector<16xi32>
      %swap3A_168 = arith.constant 112 : index
      %swap3A_169 = tpu.vector_load %arg5[%swap3A_168] {strides = array<i32>} : memref<1280xi32, #tpu.memory_space<vmem>>, vector<16xi32>,
      tpu.vector_store %arg5[%swap3A_168], %add3A_167 {strides = array<i32>} : memref<1280xi32, #tpu.memory_space<vmem>>, vector<16xi32>,
      %add3A_170 = arith.constant 35000 : i32
      %add3A_171 = vector.broadcast %add3A_170 : i32 to vector<16xi32>
      %add3A_172 = arith.addi %get3A_164, %add3A_171 : vector<16xi32>
      %swap3A_173 = arith.constant 432 : index
      %swap3A_174 = tpu.vector_load %arg5[%swap3A_173] {strides = array<i32>} : memref<1280xi32, #tpu.memory_space<vmem>>, vector<16xi32>,
      tpu.vector_store %arg5[%swap3A_173], %add3A_172 {strides = array<i32>} : memref<1280xi32, #tpu.memory_space<vmem>>, vector<16xi32>,
      %add3A_175 = arith.constant 55000 : i32
      %add3A_176 = vector.broadcast %add3A_175 : i32 to vector<16xi32>
      %add3A_177 = arith.addi %get3A_164, %add3A_176 : vector<16xi32>
      %swap3A_178 = arith.constant 752 : index
      %swap3A_179 = tpu.vector_load %arg5[%swap3A_178] {strides = array<i32>} : memref<1280xi32, #tpu.memory_space<vmem>>, vector<16xi32>,
      tpu.vector_store %arg5[%swap3A_178], %add3A_177 {strides = array<i32>} : memref<1280xi32, #tpu.memory_space<vmem>>, vector<16xi32>,
      %add3A_180 = arith.constant 75000 : i32
      %add3A_181 = vector.broadcast %add3A_180 : i32 to vector<16xi32>
      %add3A_182 = arith.addi %get3A_164, %add3A_181 : vector<16xi32>
      %swap3A_183 = arith.constant 1072 : index
      %swap3A_184 = tpu.vector_load %arg5[%swap3A_183] {strides = array<i32>} : memref<1280xi32, #tpu.memory_space<vmem>>, vector<16xi32>,
      tpu.vector_store %arg5[%swap3A_183], %add3A_182 {strides = array<i32>} : memref<1280xi32, #tpu.memory_space<vmem>>, vector<16xi32>,
      %get3A_185 = arith.constant 128 : index
      %get3A_186 = tpu.vector_load %arg4[%get3A_185] {strides = array<i32>} : memref<320xi32, #tpu.memory_space<vmem>>, vector<16xi32>,
      %add3A_187 = arith.constant 15000 : i32
      %add3A_188 = vector.broadcast %add3A_187 : i32 to vector<16xi32>
      %add3A_189 = arith.addi %get3A_186, %add3A_188 : vector<16xi32>
      %swap3A_190 = arith.constant 128 : index
      %swap3A_191 = tpu.vector_load %arg5[%swap3A_190] {strides = array<i32>} : memref<1280xi32, #tpu.memory_space<vmem>>, vector<16xi32>,
      tpu.vector_store %arg5[%swap3A_190], %add3A_189 {strides = array<i32>} : memref<1280xi32, #tpu.memory_space<vmem>>, vector<16xi32>,
      %add3A_192 = arith.constant 35000 : i32
      %add3A_193 = vector.broadcast %add3A_192 : i32 to vector<16xi32>
      %add3A_194 = arith.addi %get3A_186, %add3A_193 : vector<16xi32>
      %swap3A_195 = arith.constant 448 : index
      %swap3A_196 = tpu.vector_load %arg5[%swap3A_195] {strides = array<i32>} : memref<1280xi32, #tpu.memory_space<vmem>>, vector<16xi32>,
      tpu.vector_store %arg5[%swap3A_195], %add3A_194 {strides = array<i32>} : memref<1280xi32, #tpu.memory_space<vmem>>, vector<16xi32>,
      %add3A_197 = arith.constant 55000 : i32
      %add3A_198 = vector.broadcast %add3A_197 : i32 to vector<16xi32>
      %add3A_199 = arith.addi %get3A_186, %add3A_198 : vector<16xi32>
      %swap3A_200 = arith.constant 768 : index
      %swap3A_201 = tpu.vector_load %arg5[%swap3A_200] {strides = array<i32>} : memref<1280xi32, #tpu.memory_space<vmem>>, vector<16xi32>,
      tpu.vector_store %arg5[%swap3A_200], %add3A_199 {strides = array<i32>} : memref<1280xi32, #tpu.memory_space<vmem>>, vector<16xi32>,
      %add3A_202 = arith.constant 75000 : i32
      %add3A_203 = vector.broadcast %add3A_202 : i32 to vector<16xi32>
      %add3A_204 = arith.addi %get3A_186, %add3A_203 : vector<16xi32>
      %swap3A_205 = arith.constant 1088 : index
      %swap3A_206 = tpu.vector_load %arg5[%swap3A_205] {strides = array<i32>} : memref<1280xi32, #tpu.memory_space<vmem>>, vector<16xi32>,
      tpu.vector_store %arg5[%swap3A_205], %add3A_204 {strides = array<i32>} : memref<1280xi32, #tpu.memory_space<vmem>>, vector<16xi32>,
      %get3A_207 = arith.constant 144 : index
      %get3A_208 = tpu.vector_load %arg4[%get3A_207] {strides = array<i32>} : memref<320xi32, #tpu.memory_space<vmem>>, vector<16xi32>,
      %add3A_209 = arith.constant 15000 : i32
      %add3A_210 = vector.broadcast %add3A_209 : i32 to vector<16xi32>
      %add3A_211 = arith.addi %get3A_208, %add3A_210 : vector<16xi32>
      %swap3A_212 = arith.constant 144 : index
      %swap3A_213 = tpu.vector_load %arg5[%swap3A_212] {strides = array<i32>} : memref<1280xi32, #tpu.memory_space<vmem>>, vector<16xi32>,
      tpu.vector_store %arg5[%swap3A_212], %add3A_211 {strides = array<i32>} : memref<1280xi32, #tpu.memory_space<vmem>>, vector<16xi32>,
      %add3A_214 = arith.constant 35000 : i32
      %add3A_215 = vector.broadcast %add3A_214 : i32 to vector<16xi32>
      %add3A_216 = arith.addi %get3A_208, %add3A_215 : vector<16xi32>
      %swap3A_217 = arith.constant 464 : index
      %swap3A_218 = tpu.vector_load %arg5[%swap3A_217] {strides = array<i32>} : memref<1280xi32, #tpu.memory_space<vmem>>, vector<16xi32>,
      tpu.vector_store %arg5[%swap3A_217], %add3A_216 {strides = array<i32>} : memref<1280xi32, #tpu.memory_space<vmem>>, vector<16xi32>,
      %add3A_219 = arith.constant 55000 : i32
      %add3A_220 = vector.broadcast %add3A_219 : i32 to vector<16xi32>
      %add3A_221 = arith.addi %get3A_208, %add3A_220 : vector<16xi32>
      %swap3A_222 = arith.constant 784 : index
      %swap3A_223 = tpu.vector_load %arg5[%swap3A_222] {strides = array<i32>} : memref<1280xi32, #tpu.memory_space<vmem>>, vector<16xi32>,
      tpu.vector_store %arg5[%swap3A_222], %add3A_221 {strides = array<i32>} : memref<1280xi32, #tpu.memory_space<vmem>>, vector<16xi32>,
      %add3A_224 = arith.constant 75000 : i32
      %add3A_225 = vector.broadcast %add3A_224 : i32 to vector<16xi32>
      %add3A_226 = arith.addi %get3A_208, %add3A_225 : vector<16xi32>
      %swap3A_227 = arith.constant 1104 : index
      %swap3A_228 = tpu.vector_load %arg5[%swap3A_227] {strides = array<i32>} : memref<1280xi32, #tpu.memory_space<vmem>>, vector<16xi32>,
      tpu.vector_store %arg5[%swap3A_227], %add3A_226 {strides = array<i32>} : memref<1280xi32, #tpu.memory_space<vmem>>, vector<16xi32>,
      %get3A_229 = arith.constant 160 : index
      %get3A_230 = tpu.vector_load %arg4[%get3A_229] {strides = array<i32>} : memref<320xi32, #tpu.memory_space<vmem>>, vector<16xi32>,
      %add3A_231 = arith.constant 15000 : i32
      %add3A_232 = vector.broadcast %add3A_231 : i32 to vector<16xi32>
      %add3A_233 = arith.addi %get3A_230, %add3A_232 : vector<16xi32>
      %swap3A_234 = arith.constant 160 : index
      %swap3A_235 = tpu.vector_load %arg5[%swap3A_234] {strides = array<i32>} : memref<1280xi32, #tpu.memory_space<vmem>>, vector<16xi32>,
      tpu.vector_store %arg5[%swap3A_234], %add3A_233 {strides = array<i32>} : memref<1280xi32, #tpu.memory_space<vmem>>, vector<16xi32>,
      %add3A_236 = arith.constant 35000 : i32
      %add3A_237 = vector.broadcast %add3A_236 : i32 to vector<16xi32>
      %add3A_238 = arith.addi %get3A_230, %add3A_237 : vector<16xi32>
      %swap3A_239 = arith.constant 480 : index
      %swap3A_240 = tpu.vector_load %arg5[%swap3A_239] {strides = array<i32>} : memref<1280xi32, #tpu.memory_space<vmem>>, vector<16xi32>,
      tpu.vector_store %arg5[%swap3A_239], %add3A_238 {strides = array<i32>} : memref<1280xi32, #tpu.memory_space<vmem>>, vector<16xi32>,
      %add3A_241 = arith.constant 55000 : i32
      %add3A_242 = vector.broadcast %add3A_241 : i32 to vector<16xi32>
      %add3A_243 = arith.addi %get3A_230, %add3A_242 : vector<16xi32>
      %swap3A_244 = arith.constant 800 : index
      %swap3A_245 = tpu.vector_load %arg5[%swap3A_244] {strides = array<i32>} : memref<1280xi32, #tpu.memory_space<vmem>>, vector<16xi32>,
      tpu.vector_store %arg5[%swap3A_244], %add3A_243 {strides = array<i32>} : memref<1280xi32, #tpu.memory_space<vmem>>, vector<16xi32>,
      %add3A_246 = arith.constant 75000 : i32
      %add3A_247 = vector.broadcast %add3A_246 : i32 to vector<16xi32>
      %add3A_248 = arith.addi %get3A_230, %add3A_247 : vector<16xi32>
      %swap3A_249 = arith.constant 1120 : index
      %swap3A_250 = tpu.vector_load %arg5[%swap3A_249] {strides = array<i32>} : memref<1280xi32, #tpu.memory_space<vmem>>, vector<16xi32>,
      tpu.vector_store %arg5[%swap3A_249], %add3A_248 {strides = array<i32>} : memref<1280xi32, #tpu.memory_space<vmem>>, vector<16xi32>,
      %get3A_251 = arith.constant 176 : index
      %get3A_252 = tpu.vector_load %arg4[%get3A_251] {strides = array<i32>} : memref<320xi32, #tpu.memory_space<vmem>>, vector<16xi32>,
      %add3A_253 = arith.constant 15000 : i32
      %add3A_254 = vector.broadcast %add3A_253 : i32 to vector<16xi32>
      %add3A_255 = arith.addi %get3A_252, %add3A_254 : vector<16xi32>
      %swap3A_256 = arith.constant 176 : index
      %swap3A_257 = tpu.vector_load %arg5[%swap3A_256] {strides = array<i32>} : memref<1280xi32, #tpu.memory_space<vmem>>, vector<16xi32>,
      tpu.vector_store %arg5[%swap3A_256], %add3A_255 {strides = array<i32>} : memref<1280xi32, #tpu.memory_space<vmem>>, vector<16xi32>,
      %add3A_258 = arith.constant 35000 : i32
      %add3A_259 = vector.broadcast %add3A_258 : i32 to vector<16xi32>
      %add3A_260 = arith.addi %get3A_252, %add3A_259 : vector<16xi32>
      %swap3A_261 = arith.constant 496 : index
      %swap3A_262 = tpu.vector_load %arg5[%swap3A_261] {strides = array<i32>} : memref<1280xi32, #tpu.memory_space<vmem>>, vector<16xi32>,
      tpu.vector_store %arg5[%swap3A_261], %add3A_260 {strides = array<i32>} : memref<1280xi32, #tpu.memory_space<vmem>>, vector<16xi32>,
      %add3A_263 = arith.constant 55000 : i32
      %add3A_264 = vector.broadcast %add3A_263 : i32 to vector<16xi32>
      %add3A_265 = arith.addi %get3A_252, %add3A_264 : vector<16xi32>
      %swap3A_266 = arith.constant 816 : index
      %swap3A_267 = tpu.vector_load %arg5[%swap3A_266] {strides = array<i32>} : memref<1280xi32, #tpu.memory_space<vmem>>, vector<16xi32>,
      tpu.vector_store %arg5[%swap3A_266], %add3A_265 {strides = array<i32>} : memref<1280xi32, #tpu.memory_space<vmem>>, vector<16xi32>,
      %add3A_268 = arith.constant 75000 : i32
      %add3A_269 = vector.broadcast %add3A_268 : i32 to vector<16xi32>
      %add3A_270 = arith.addi %get3A_252, %add3A_269 : vector<16xi32>
      %swap3A_271 = arith.constant 1136 : index
      %swap3A_272 = tpu.vector_load %arg5[%swap3A_271] {strides = array<i32>} : memref<1280xi32, #tpu.memory_space<vmem>>, vector<16xi32>,
      tpu.vector_store %arg5[%swap3A_271], %add3A_270 {strides = array<i32>} : memref<1280xi32, #tpu.memory_space<vmem>>, vector<16xi32>,
      %get3A_273 = arith.constant 192 : index
      %get3A_274 = tpu.vector_load %arg4[%get3A_273] {strides = array<i32>} : memref<320xi32, #tpu.memory_space<vmem>>, vector<16xi32>,
      %add3A_275 = arith.constant 15000 : i32
      %add3A_276 = vector.broadcast %add3A_275 : i32 to vector<16xi32>
      %add3A_277 = arith.addi %get3A_274, %add3A_276 : vector<16xi32>
      %swap3A_278 = arith.constant 192 : index
      %swap3A_279 = tpu.vector_load %arg5[%swap3A_278] {strides = array<i32>} : memref<1280xi32, #tpu.memory_space<vmem>>, vector<16xi32>,
      tpu.vector_store %arg5[%swap3A_278], %add3A_277 {strides = array<i32>} : memref<1280xi32, #tpu.memory_space<vmem>>, vector<16xi32>,
      %add3A_280 = arith.constant 35000 : i32
      %add3A_281 = vector.broadcast %add3A_280 : i32 to vector<16xi32>
      %add3A_282 = arith.addi %get3A_274, %add3A_281 : vector<16xi32>
      %swap3A_283 = arith.constant 512 : index
      %swap3A_284 = tpu.vector_load %arg5[%swap3A_283] {strides = array<i32>} : memref<1280xi32, #tpu.memory_space<vmem>>, vector<16xi32>,
      tpu.vector_store %arg5[%swap3A_283], %add3A_282 {strides = array<i32>} : memref<1280xi32, #tpu.memory_space<vmem>>, vector<16xi32>,
      %add3A_285 = arith.constant 55000 : i32
      %add3A_286 = vector.broadcast %add3A_285 : i32 to vector<16xi32>
      %add3A_287 = arith.addi %get3A_274, %add3A_286 : vector<16xi32>
      %swap3A_288 = arith.constant 832 : index
      %swap3A_289 = tpu.vector_load %arg5[%swap3A_288] {strides = array<i32>} : memref<1280xi32, #tpu.memory_space<vmem>>, vector<16xi32>,
      tpu.vector_store %arg5[%swap3A_288], %add3A_287 {strides = array<i32>} : memref<1280xi32, #tpu.memory_space<vmem>>, vector<16xi32>,
      %add3A_290 = arith.constant 75000 : i32
      %add3A_291 = vector.broadcast %add3A_290 : i32 to vector<16xi32>
      %add3A_292 = arith.addi %get3A_274, %add3A_291 : vector<16xi32>
      %swap3A_293 = arith.constant 1152 : index
      %swap3A_294 = tpu.vector_load %arg5[%swap3A_293] {strides = array<i32>} : memref<1280xi32, #tpu.memory_space<vmem>>, vector<16xi32>,
      tpu.vector_store %arg5[%swap3A_293], %add3A_292 {strides = array<i32>} : memref<1280xi32, #tpu.memory_space<vmem>>, vector<16xi32>,
      %get3A_295 = arith.constant 208 : index
      %get3A_296 = tpu.vector_load %arg4[%get3A_295] {strides = array<i32>} : memref<320xi32, #tpu.memory_space<vmem>>, vector<16xi32>,
      %add3A_297 = arith.constant 15000 : i32
      %add3A_298 = vector.broadcast %add3A_297 : i32 to vector<16xi32>
      %add3A_299 = arith.addi %get3A_296, %add3A_298 : vector<16xi32>
      %swap3A_300 = arith.constant 208 : index
      %swap3A_301 = tpu.vector_load %arg5[%swap3A_300] {strides = array<i32>} : memref<1280xi32, #tpu.memory_space<vmem>>, vector<16xi32>,
      tpu.vector_store %arg5[%swap3A_300], %add3A_299 {strides = array<i32>} : memref<1280xi32, #tpu.memory_space<vmem>>, vector<16xi32>,
      %add3A_302 = arith.constant 35000 : i32
      %add3A_303 = vector.broadcast %add3A_302 : i32 to vector<16xi32>
      %add3A_304 = arith.addi %get3A_296, %add3A_303 : vector<16xi32>
      %swap3A_305 = arith.constant 528 : index
      %swap3A_306 = tpu.vector_load %arg5[%swap3A_305] {strides = array<i32>} : memref<1280xi32, #tpu.memory_space<vmem>>, vector<16xi32>,
      tpu.vector_store %arg5[%swap3A_305], %add3A_304 {strides = array<i32>} : memref<1280xi32, #tpu.memory_space<vmem>>, vector<16xi32>,
      %add3A_307 = arith.constant 55000 : i32
      %add3A_308 = vector.broadcast %add3A_307 : i32 to vector<16xi32>
      %add3A_309 = arith.addi %get3A_296, %add3A_308 : vector<16xi32>
      %swap3A_310 = arith.constant 848 : index
      %swap3A_311 = tpu.vector_load %arg5[%swap3A_310] {strides = array<i32>} : memref<1280xi32, #tpu.memory_space<vmem>>, vector<16xi32>,
      tpu.vector_store %arg5[%swap3A_310], %add3A_309 {strides = array<i32>} : memref<1280xi32, #tpu.memory_space<vmem>>, vector<16xi32>,
      %add3A_312 = arith.constant 75000 : i32
      %add3A_313 = vector.broadcast %add3A_312 : i32 to vector<16xi32>
      %add3A_314 = arith.addi %get3A_296, %add3A_313 : vector<16xi32>
      %swap3A_315 = arith.constant 1168 : index
      %swap3A_316 = tpu.vector_load %arg5[%swap3A_315] {strides = array<i32>} : memref<1280xi32, #tpu.memory_space<vmem>>, vector<16xi32>,
      tpu.vector_store %arg5[%swap3A_315], %add3A_314 {strides = array<i32>} : memref<1280xi32, #tpu.memory_space<vmem>>, vector<16xi32>,
      %get3A_317 = arith.constant 224 : index
      %get3A_318 = tpu.vector_load %arg4[%get3A_317] {strides = array<i32>} : memref<320xi32, #tpu.memory_space<vmem>>, vector<16xi32>,
      %add3A_319 = arith.constant 15000 : i32
      %add3A_320 = vector.broadcast %add3A_319 : i32 to vector<16xi32>
      %add3A_321 = arith.addi %get3A_318, %add3A_320 : vector<16xi32>
      %swap3A_322 = arith.constant 224 : index
      %swap3A_323 = tpu.vector_load %arg5[%swap3A_322] {strides = array<i32>} : memref<1280xi32, #tpu.memory_space<vmem>>, vector<16xi32>,
      tpu.vector_store %arg5[%swap3A_322], %add3A_321 {strides = array<i32>} : memref<1280xi32, #tpu.memory_space<vmem>>, vector<16xi32>,
      %add3A_324 = arith.constant 35000 : i32
      %add3A_325 = vector.broadcast %add3A_324 : i32 to vector<16xi32>
      %add3A_326 = arith.addi %get3A_318, %add3A_325 : vector<16xi32>
      %swap3A_327 = arith.constant 544 : index
      %swap3A_328 = tpu.vector_load %arg5[%swap3A_327] {strides = array<i32>} : memref<1280xi32, #tpu.memory_space<vmem>>, vector<16xi32>,
      tpu.vector_store %arg5[%swap3A_327], %add3A_326 {strides = array<i32>} : memref<1280xi32, #tpu.memory_space<vmem>>, vector<16xi32>,
      %add3A_329 = arith.constant 55000 : i32
      %add3A_330 = vector.broadcast %add3A_329 : i32 to vector<16xi32>
      %add3A_331 = arith.addi %get3A_318, %add3A_330 : vector<16xi32>
      %swap3A_332 = arith.constant 864 : index
      %swap3A_333 = tpu.vector_load %arg5[%swap3A_332] {strides = array<i32>} : memref<1280xi32, #tpu.memory_space<vmem>>, vector<16xi32>,
      tpu.vector_store %arg5[%swap3A_332], %add3A_331 {strides = array<i32>} : memref<1280xi32, #tpu.memory_space<vmem>>, vector<16xi32>,
      %add3A_334 = arith.constant 75000 : i32
      %add3A_335 = vector.broadcast %add3A_334 : i32 to vector<16xi32>
      %add3A_336 = arith.addi %get3A_318, %add3A_335 : vector<16xi32>
      %swap3A_337 = arith.constant 1184 : index
      %swap3A_338 = tpu.vector_load %arg5[%swap3A_337] {strides = array<i32>} : memref<1280xi32, #tpu.memory_space<vmem>>, vector<16xi32>,
      tpu.vector_store %arg5[%swap3A_337], %add3A_336 {strides = array<i32>} : memref<1280xi32, #tpu.memory_space<vmem>>, vector<16xi32>,
      %get3A_339 = arith.constant 240 : index
      %get3A_340 = tpu.vector_load %arg4[%get3A_339] {strides = array<i32>} : memref<320xi32, #tpu.memory_space<vmem>>, vector<16xi32>,
      %add3A_341 = arith.constant 15000 : i32
      %add3A_342 = vector.broadcast %add3A_341 : i32 to vector<16xi32>
      %add3A_343 = arith.addi %get3A_340, %add3A_342 : vector<16xi32>
      %swap3A_344 = arith.constant 240 : index
      %swap3A_345 = tpu.vector_load %arg5[%swap3A_344] {strides = array<i32>} : memref<1280xi32, #tpu.memory_space<vmem>>, vector<16xi32>,
      tpu.vector_store %arg5[%swap3A_344], %add3A_343 {strides = array<i32>} : memref<1280xi32, #tpu.memory_space<vmem>>, vector<16xi32>,
      %add3A_346 = arith.constant 35000 : i32
      %add3A_347 = vector.broadcast %add3A_346 : i32 to vector<16xi32>
      %add3A_348 = arith.addi %get3A_340, %add3A_347 : vector<16xi32>
      %swap3A_349 = arith.constant 560 : index
      %swap3A_350 = tpu.vector_load %arg5[%swap3A_349] {strides = array<i32>} : memref<1280xi32, #tpu.memory_space<vmem>>, vector<16xi32>,
      tpu.vector_store %arg5[%swap3A_349], %add3A_348 {strides = array<i32>} : memref<1280xi32, #tpu.memory_space<vmem>>, vector<16xi32>,
      %add3A_351 = arith.constant 55000 : i32
      %add3A_352 = vector.broadcast %add3A_351 : i32 to vector<16xi32>
      %add3A_353 = arith.addi %get3A_340, %add3A_352 : vector<16xi32>
      %swap3A_354 = arith.constant 880 : index
      %swap3A_355 = tpu.vector_load %arg5[%swap3A_354] {strides = array<i32>} : memref<1280xi32, #tpu.memory_space<vmem>>, vector<16xi32>,
      tpu.vector_store %arg5[%swap3A_354], %add3A_353 {strides = array<i32>} : memref<1280xi32, #tpu.memory_space<vmem>>, vector<16xi32>,
      %add3A_356 = arith.constant 75000 : i32
      %add3A_357 = vector.broadcast %add3A_356 : i32 to vector<16xi32>
      %add3A_358 = arith.addi %get3A_340, %add3A_357 : vector<16xi32>
      %swap3A_359 = arith.constant 1200 : index
      %swap3A_360 = tpu.vector_load %arg5[%swap3A_359] {strides = array<i32>} : memref<1280xi32, #tpu.memory_space<vmem>>, vector<16xi32>,
      tpu.vector_store %arg5[%swap3A_359], %add3A_358 {strides = array<i32>} : memref<1280xi32, #tpu.memory_space<vmem>>, vector<16xi32>,
      %get3A_361 = arith.constant 256 : index
      %get3A_362 = tpu.vector_load %arg4[%get3A_361] {strides = array<i32>} : memref<320xi32, #tpu.memory_space<vmem>>, vector<16xi32>,
      %add3A_363 = arith.constant 15000 : i32
      %add3A_364 = vector.broadcast %add3A_363 : i32 to vector<16xi32>
      %add3A_365 = arith.addi %get3A_362, %add3A_364 : vector<16xi32>
      %swap3A_366 = arith.constant 256 : index
      %swap3A_367 = tpu.vector_load %arg5[%swap3A_366] {strides = array<i32>} : memref<1280xi32, #tpu.memory_space<vmem>>, vector<16xi32>,
      tpu.vector_store %arg5[%swap3A_366], %add3A_365 {strides = array<i32>} : memref<1280xi32, #tpu.memory_space<vmem>>, vector<16xi32>,
      %add3A_368 = arith.constant 35000 : i32
      %add3A_369 = vector.broadcast %add3A_368 : i32 to vector<16xi32>
      %add3A_370 = arith.addi %get3A_362, %add3A_369 : vector<16xi32>
      %swap3A_371 = arith.constant 576 : index
      %swap3A_372 = tpu.vector_load %arg5[%swap3A_371] {strides = array<i32>} : memref<1280xi32, #tpu.memory_space<vmem>>, vector<16xi32>,
      tpu.vector_store %arg5[%swap3A_371], %add3A_370 {strides = array<i32>} : memref<1280xi32, #tpu.memory_space<vmem>>, vector<16xi32>,
      %add3A_373 = arith.constant 55000 : i32
      %add3A_374 = vector.broadcast %add3A_373 : i32 to vector<16xi32>
      %add3A_375 = arith.addi %get3A_362, %add3A_374 : vector<16xi32>
      %swap3A_376 = arith.constant 896 : index
      %swap3A_377 = tpu.vector_load %arg5[%swap3A_376] {strides = array<i32>} : memref<1280xi32, #tpu.memory_space<vmem>>, vector<16xi32>,
      tpu.vector_store %arg5[%swap3A_376], %add3A_375 {strides = array<i32>} : memref<1280xi32, #tpu.memory_space<vmem>>, vector<16xi32>,
      %add3A_378 = arith.constant 75000 : i32
      %add3A_379 = vector.broadcast %add3A_378 : i32 to vector<16xi32>
      %add3A_380 = arith.addi %get3A_362, %add3A_379 : vector<16xi32>
      %swap3A_381 = arith.constant 1216 : index
      %swap3A_382 = tpu.vector_load %arg5[%swap3A_381] {strides = array<i32>} : memref<1280xi32, #tpu.memory_space<vmem>>, vector<16xi32>,
      tpu.vector_store %arg5[%swap3A_381], %add3A_380 {strides = array<i32>} : memref<1280xi32, #tpu.memory_space<vmem>>, vector<16xi32>,
      %get3A_383 = arith.constant 272 : index
      %get3A_384 = tpu.vector_load %arg4[%get3A_383] {strides = array<i32>} : memref<320xi32, #tpu.memory_space<vmem>>, vector<16xi32>,
      %add3A_385 = arith.constant 15000 : i32
      %add3A_386 = vector.broadcast %add3A_385 : i32 to vector<16xi32>
      %add3A_387 = arith.addi %get3A_384, %add3A_386 : vector<16xi32>
      %swap3A_388 = arith.constant 272 : index
      %swap3A_389 = tpu.vector_load %arg5[%swap3A_388] {strides = array<i32>} : memref<1280xi32, #tpu.memory_space<vmem>>, vector<16xi32>,
      tpu.vector_store %arg5[%swap3A_388], %add3A_387 {strides = array<i32>} : memref<1280xi32, #tpu.memory_space<vmem>>, vector<16xi32>,
      %add3A_390 = arith.constant 35000 : i32
      %add3A_391 = vector.broadcast %add3A_390 : i32 to vector<16xi32>
      %add3A_392 = arith.addi %get3A_384, %add3A_391 : vector<16xi32>
      %swap3A_393 = arith.constant 592 : index
      %swap3A_394 = tpu.vector_load %arg5[%swap3A_393] {strides = array<i32>} : memref<1280xi32, #tpu.memory_space<vmem>>, vector<16xi32>,
      tpu.vector_store %arg5[%swap3A_393], %add3A_392 {strides = array<i32>} : memref<1280xi32, #tpu.memory_space<vmem>>, vector<16xi32>,
      %add3A_395 = arith.constant 55000 : i32
      %add3A_396 = vector.broadcast %add3A_395 : i32 to vector<16xi32>
      %add3A_397 = arith.addi %get3A_384, %add3A_396 : vector<16xi32>
      %swap3A_398 = arith.constant 912 : index
      %swap3A_399 = tpu.vector_load %arg5[%swap3A_398] {strides = array<i32>} : memref<1280xi32, #tpu.memory_space<vmem>>, vector<16xi32>,
      tpu.vector_store %arg5[%swap3A_398], %add3A_397 {strides = array<i32>} : memref<1280xi32, #tpu.memory_space<vmem>>, vector<16xi32>,
      %add3A_400 = arith.constant 75000 : i32
      %add3A_401 = vector.broadcast %add3A_400 : i32 to vector<16xi32>
      %add3A_402 = arith.addi %get3A_384, %add3A_401 : vector<16xi32>
      %swap3A_403 = arith.constant 1232 : index
      %swap3A_404 = tpu.vector_load %arg5[%swap3A_403] {strides = array<i32>} : memref<1280xi32, #tpu.memory_space<vmem>>, vector<16xi32>,
      tpu.vector_store %arg5[%swap3A_403], %add3A_402 {strides = array<i32>} : memref<1280xi32, #tpu.memory_space<vmem>>, vector<16xi32>,
      %get3A_405 = arith.constant 288 : index
      %get3A_406 = tpu.vector_load %arg4[%get3A_405] {strides = array<i32>} : memref<320xi32, #tpu.memory_space<vmem>>, vector<16xi32>,
      %add3A_407 = arith.constant 15000 : i32
      %add3A_408 = vector.broadcast %add3A_407 : i32 to vector<16xi32>
      %add3A_409 = arith.addi %get3A_406, %add3A_408 : vector<16xi32>
      %swap3A_410 = arith.constant 288 : index
      %swap3A_411 = tpu.vector_load %arg5[%swap3A_410] {strides = array<i32>} : memref<1280xi32, #tpu.memory_space<vmem>>, vector<16xi32>,
      tpu.vector_store %arg5[%swap3A_410], %add3A_409 {strides = array<i32>} : memref<1280xi32, #tpu.memory_space<vmem>>, vector<16xi32>,
      %add3A_412 = arith.constant 35000 : i32
      %add3A_413 = vector.broadcast %add3A_412 : i32 to vector<16xi32>
      %add3A_414 = arith.addi %get3A_406, %add3A_413 : vector<16xi32>
      %swap3A_415 = arith.constant 608 : index
      %swap3A_416 = tpu.vector_load %arg5[%swap3A_415] {strides = array<i32>} : memref<1280xi32, #tpu.memory_space<vmem>>, vector<16xi32>,
      tpu.vector_store %arg5[%swap3A_415], %add3A_414 {strides = array<i32>} : memref<1280xi32, #tpu.memory_space<vmem>>, vector<16xi32>,
      %add3A_417 = arith.constant 55000 : i32
      %add3A_418 = vector.broadcast %add3A_417 : i32 to vector<16xi32>
      %add3A_419 = arith.addi %get3A_406, %add3A_418 : vector<16xi32>
      %swap3A_420 = arith.constant 928 : index
      %swap3A_421 = tpu.vector_load %arg5[%swap3A_420] {strides = array<i32>} : memref<1280xi32, #tpu.memory_space<vmem>>, vector<16xi32>,
      tpu.vector_store %arg5[%swap3A_420], %add3A_419 {strides = array<i32>} : memref<1280xi32, #tpu.memory_space<vmem>>, vector<16xi32>,
      %add3A_422 = arith.constant 75000 : i32
      %add3A_423 = vector.broadcast %add3A_422 : i32 to vector<16xi32>
      %add3A_424 = arith.addi %get3A_406, %add3A_423 : vector<16xi32>
      %swap3A_425 = arith.constant 1248 : index
      %swap3A_426 = tpu.vector_load %arg5[%swap3A_425] {strides = array<i32>} : memref<1280xi32, #tpu.memory_space<vmem>>, vector<16xi32>,
      tpu.vector_store %arg5[%swap3A_425], %add3A_424 {strides = array<i32>} : memref<1280xi32, #tpu.memory_space<vmem>>, vector<16xi32>,
      %get3A_427 = arith.constant 304 : index
      %get3A_428 = tpu.vector_load %arg4[%get3A_427] {strides = array<i32>} : memref<320xi32, #tpu.memory_space<vmem>>, vector<16xi32>,
      %add3A_429 = arith.constant 15000 : i32
      %add3A_430 = vector.broadcast %add3A_429 : i32 to vector<16xi32>
      %add3A_431 = arith.addi %get3A_428, %add3A_430 : vector<16xi32>
      %swap3A_432 = arith.constant 304 : index
      %swap3A_433 = tpu.vector_load %arg5[%swap3A_432] {strides = array<i32>} : memref<1280xi32, #tpu.memory_space<vmem>>, vector<16xi32>,
      tpu.vector_store %arg5[%swap3A_432], %add3A_431 {strides = array<i32>} : memref<1280xi32, #tpu.memory_space<vmem>>, vector<16xi32>,
      %add3A_434 = arith.constant 35000 : i32
      %add3A_435 = vector.broadcast %add3A_434 : i32 to vector<16xi32>
      %add3A_436 = arith.addi %get3A_428, %add3A_435 : vector<16xi32>
      %swap3A_437 = arith.constant 624 : index
      %swap3A_438 = tpu.vector_load %arg5[%swap3A_437] {strides = array<i32>} : memref<1280xi32, #tpu.memory_space<vmem>>, vector<16xi32>,
      tpu.vector_store %arg5[%swap3A_437], %add3A_436 {strides = array<i32>} : memref<1280xi32, #tpu.memory_space<vmem>>, vector<16xi32>,
      %add3A_439 = arith.constant 55000 : i32
      %add3A_440 = vector.broadcast %add3A_439 : i32 to vector<16xi32>
      %add3A_441 = arith.addi %get3A_428, %add3A_440 : vector<16xi32>
      %swap3A_442 = arith.constant 944 : index
      %swap3A_443 = tpu.vector_load %arg5[%swap3A_442] {strides = array<i32>} : memref<1280xi32, #tpu.memory_space<vmem>>, vector<16xi32>,
      tpu.vector_store %arg5[%swap3A_442], %add3A_441 {strides = array<i32>} : memref<1280xi32, #tpu.memory_space<vmem>>, vector<16xi32>,
      %add3A_444 = arith.constant 75000 : i32
      %add3A_445 = vector.broadcast %add3A_444 : i32 to vector<16xi32>
      %add3A_446 = arith.addi %get3A_428, %add3A_445 : vector<16xi32>
      %swap3A_447 = arith.constant 1264 : index
      %swap3A_448 = tpu.vector_load %arg5[%swap3A_447] {strides = array<i32>} : memref<1280xi32, #tpu.memory_space<vmem>>, vector<16xi32>,
      tpu.vector_store %arg5[%swap3A_447], %add3A_446 {strides = array<i32>} : memref<1280xi32, #tpu.memory_space<vmem>>, vector<16xi32>,
      %dma_start3A = arith.constant 0 : i32
      %dma_start3A_449 = tpu.memref_slice %arg6[%dma_start3A] : memref<1280xi32, #tpu.memory_space<vmem>> -> memref<128xi32, #tpu.memory_space<vmem>>
      %dma_start3A_450 = arith.constant 0 : i32
      %dma_start3A_451 = tpu.memref_slice %arg5[%dma_start3A_450] : memref<1280xi32, #tpu.memory_space<vmem>> -> memref<128xi32, #tpu.memory_space<vmem>>
      %dma_start3A_452 = arith.constant 0 : i32
      %dma_start3A_453 = tpu.memref_slice %arg2[%dma_start3A_452] : memref<95000xi32, #tpu.memory_space<hbm>> -> memref<95000xi32, #tpu.memory_space<hbm>>
      tpu.enqueue_indirect_dma source(%dma_start3A_453 : memref<95000xi32, #tpu.memory_space<hbm>>) target(%dma_start3A_449 : memref<128xi32, #tpu.memory_space<vmem>>) offsets(%dma_start3A_451 : memref<128xi32, #tpu.memory_space<vmem>>) semaphore(%arg7 : memref<!tpu.dma_semaphore, #tpu.memory_space<semaphore_mem>>)
      %dma_start3A_454 = arith.constant 128 : i32
      %dma_start3A_455 = tpu.memref_slice %arg6[%dma_start3A_454] : memref<1280xi32, #tpu.memory_space<vmem>> -> memref<128xi32, #tpu.memory_space<vmem>>
      %dma_start3A_456 = arith.constant 128 : i32
      %dma_start3A_457 = tpu.memref_slice %arg5[%dma_start3A_456] : memref<1280xi32, #tpu.memory_space<vmem>> -> memref<128xi32, #tpu.memory_space<vmem>>
      %dma_start3A_458 = arith.constant 0 : i32
      %dma_start3A_459 = tpu.memref_slice %arg2[%dma_start3A_458] : memref<95000xi32, #tpu.memory_space<hbm>> -> memref<95000xi32, #tpu.memory_space<hbm>>
      tpu.enqueue_indirect_dma source(%dma_start3A_459 : memref<95000xi32, #tpu.memory_space<hbm>>) target(%dma_start3A_455 : memref<128xi32, #tpu.memory_space<vmem>>) offsets(%dma_start3A_457 : memref<128xi32, #tpu.memory_space<vmem>>) semaphore(%arg7 : memref<!tpu.dma_semaphore, #tpu.memory_space<semaphore_mem>>)
      %dma_start3A_460 = arith.constant 256 : i32
      %dma_start3A_461 = tpu.memref_slice %arg6[%dma_start3A_460] : memref<1280xi32, #tpu.memory_space<vmem>> -> memref<64xi32, #tpu.memory_space<vmem>>
      %dma_start3A_462 = arith.constant 256 : i32
      %dma_start3A_463 = tpu.memref_slice %arg5[%dma_start3A_462] : memref<1280xi32, #tpu.memory_space<vmem>> -> memref<64xi32, #tpu.memory_space<vmem>>
      %dma_start3A_464 = arith.constant 0 : i32
      %dma_start3A_465 = tpu.memref_slice %arg2[%dma_start3A_464] : memref<95000xi32, #tpu.memory_space<hbm>> -> memref<95000xi32, #tpu.memory_space<hbm>>
      tpu.enqueue_indirect_dma source(%dma_start3A_465 : memref<95000xi32, #tpu.memory_space<hbm>>) target(%dma_start3A_461 : memref<64xi32, #tpu.memory_space<vmem>>) offsets(%dma_start3A_463 : memref<64xi32, #tpu.memory_space<vmem>>) semaphore(%arg7 : memref<!tpu.dma_semaphore, #tpu.memory_space<semaphore_mem>>)
      %dma_start3A_466 = arith.constant 320 : i32
      %dma_start3A_467 = tpu.memref_slice %arg6[%dma_start3A_466] : memref<1280xi32, #tpu.memory_space<vmem>> -> memref<128xi32, #tpu.memory_space<vmem>>
      %dma_start3A_468 = arith.constant 320 : i32
      %dma_start3A_469 = tpu.memref_slice %arg5[%dma_start3A_468] : memref<1280xi32, #tpu.memory_space<vmem>> -> memref<128xi32, #tpu.memory_space<vmem>>
      %dma_start3A_470 = arith.constant 0 : i32
      %dma_start3A_471 = tpu.memref_slice %arg2[%dma_start3A_470] : memref<95000xi32, #tpu.memory_space<hbm>> -> memref<95000xi32, #tpu.memory_space<hbm>>
      tpu.enqueue_indirect_dma source(%dma_start3A_471 : memref<95000xi32, #tpu.memory_space<hbm>>) target(%dma_start3A_467 : memref<128xi32, #tpu.memory_space<vmem>>) offsets(%dma_start3A_469 : memref<128xi32, #tpu.memory_space<vmem>>) semaphore(%arg8 : memref<!tpu.dma_semaphore, #tpu.memory_space<semaphore_mem>>)
      %dma_start3A_472 = arith.constant 448 : i32
      %dma_start3A_473 = tpu.memref_slice %arg6[%dma_start3A_472] : memref<1280xi32, #tpu.memory_space<vmem>> -> memref<128xi32, #tpu.memory_space<vmem>>
      %dma_start3A_474 = arith.constant 448 : i32
      %dma_start3A_475 = tpu.memref_slice %arg5[%dma_start3A_474] : memref<1280xi32, #tpu.memory_space<vmem>> -> memref<128xi32, #tpu.memory_space<vmem>>
      %dma_start3A_476 = arith.constant 0 : i32
      %dma_start3A_477 = tpu.memref_slice %arg2[%dma_start3A_476] : memref<95000xi32, #tpu.memory_space<hbm>> -> memref<95000xi32, #tpu.memory_space<hbm>>
      tpu.enqueue_indirect_dma source(%dma_start3A_477 : memref<95000xi32, #tpu.memory_space<hbm>>) target(%dma_start3A_473 : memref<128xi32, #tpu.memory_space<vmem>>) offsets(%dma_start3A_475 : memref<128xi32, #tpu.memory_space<vmem>>) semaphore(%arg8 : memref<!tpu.dma_semaphore, #tpu.memory_space<semaphore_mem>>)
      %dma_start3A_478 = arith.constant 576 : i32
      %dma_start3A_479 = tpu.memref_slice %arg6[%dma_start3A_478] : memref<1280xi32, #tpu.memory_space<vmem>> -> memref<64xi32, #tpu.memory_space<vmem>>
      %dma_start3A_480 = arith.constant 576 : i32
      %dma_start3A_481 = tpu.memref_slice %arg5[%dma_start3A_480] : memref<1280xi32, #tpu.memory_space<vmem>> -> memref<64xi32, #tpu.memory_space<vmem>>
      %dma_start3A_482 = arith.constant 0 : i32
      %dma_start3A_483 = tpu.memref_slice %arg2[%dma_start3A_482] : memref<95000xi32, #tpu.memory_space<hbm>> -> memref<95000xi32, #tpu.memory_space<hbm>>
      tpu.enqueue_indirect_dma source(%dma_start3A_483 : memref<95000xi32, #tpu.memory_space<hbm>>) target(%dma_start3A_479 : memref<64xi32, #tpu.memory_space<vmem>>) offsets(%dma_start3A_481 : memref<64xi32, #tpu.memory_space<vmem>>) semaphore(%arg8 : memref<!tpu.dma_semaphore, #tpu.memory_space<semaphore_mem>>)
      %dma_start3A_484 = arith.constant 640 : i32
      %dma_start3A_485 = tpu.memref_slice %arg6[%dma_start3A_484] : memref<1280xi32, #tpu.memory_space<vmem>> -> memref<128xi32, #tpu.memory_space<vmem>>
      %dma_start3A_486 = arith.constant 640 : i32
      %dma_start3A_487 = tpu.memref_slice %arg5[%dma_start3A_486] : memref<1280xi32, #tpu.memory_space<vmem>> -> memref<128xi32, #tpu.memory_space<vmem>>
      %dma_start3A_488 = arith.constant 0 : i32
      %dma_start3A_489 = tpu.memref_slice %arg2[%dma_start3A_488] : memref<95000xi32, #tpu.memory_space<hbm>> -> memref<95000xi32, #tpu.memory_space<hbm>>
      tpu.enqueue_indirect_dma source(%dma_start3A_489 : memref<95000xi32, #tpu.memory_space<hbm>>) target(%dma_start3A_485 : memref<128xi32, #tpu.memory_space<vmem>>) offsets(%dma_start3A_487 : memref<128xi32, #tpu.memory_space<vmem>>) semaphore(%arg9 : memref<!tpu.dma_semaphore, #tpu.memory_space<semaphore_mem>>)
      %dma_start3A_490 = arith.constant 768 : i32
      %dma_start3A_491 = tpu.memref_slice %arg6[%dma_start3A_490] : memref<1280xi32, #tpu.memory_space<vmem>> -> memref<128xi32, #tpu.memory_space<vmem>>
      %dma_start3A_492 = arith.constant 768 : i32
      %dma_start3A_493 = tpu.memref_slice %arg5[%dma_start3A_492] : memref<1280xi32, #tpu.memory_space<vmem>> -> memref<128xi32, #tpu.memory_space<vmem>>
      %dma_start3A_494 = arith.constant 0 : i32
      %dma_start3A_495 = tpu.memref_slice %arg2[%dma_start3A_494] : memref<95000xi32, #tpu.memory_space<hbm>> -> memref<95000xi32, #tpu.memory_space<hbm>>
      tpu.enqueue_indirect_dma source(%dma_start3A_495 : memref<95000xi32, #tpu.memory_space<hbm>>) target(%dma_start3A_491 : memref<128xi32, #tpu.memory_space<vmem>>) offsets(%dma_start3A_493 : memref<128xi32, #tpu.memory_space<vmem>>) semaphore(%arg9 : memref<!tpu.dma_semaphore, #tpu.memory_space<semaphore_mem>>)
      %dma_start3A_496 = arith.constant 896 : i32
      %dma_start3A_497 = tpu.memref_slice %arg6[%dma_start3A_496] : memref<1280xi32, #tpu.memory_space<vmem>> -> memref<64xi32, #tpu.memory_space<vmem>>
      %dma_start3A_498 = arith.constant 896 : i32
      %dma_start3A_499 = tpu.memref_slice %arg5[%dma_start3A_498] : memref<1280xi32, #tpu.memory_space<vmem>> -> memref<64xi32, #tpu.memory_space<vmem>>
      %dma_start3A_500 = arith.constant 0 : i32
      %dma_start3A_501 = tpu.memref_slice %arg2[%dma_start3A_500] : memref<95000xi32, #tpu.memory_space<hbm>> -> memref<95000xi32, #tpu.memory_space<hbm>>
      tpu.enqueue_indirect_dma source(%dma_start3A_501 : memref<95000xi32, #tpu.memory_space<hbm>>) target(%dma_start3A_497 : memref<64xi32, #tpu.memory_space<vmem>>) offsets(%dma_start3A_499 : memref<64xi32, #tpu.memory_space<vmem>>) semaphore(%arg9 : memref<!tpu.dma_semaphore, #tpu.memory_space<semaphore_mem>>)
      %dma_start3A_502 = arith.constant 960 : i32
      %dma_start3A_503 = tpu.memref_slice %arg6[%dma_start3A_502] : memref<1280xi32, #tpu.memory_space<vmem>> -> memref<128xi32, #tpu.memory_space<vmem>>
      %dma_start3A_504 = arith.constant 960 : i32
      %dma_start3A_505 = tpu.memref_slice %arg5[%dma_start3A_504] : memref<1280xi32, #tpu.memory_space<vmem>> -> memref<128xi32, #tpu.memory_space<vmem>>
      %dma_start3A_506 = arith.constant 0 : i32
      %dma_start3A_507 = tpu.memref_slice %arg2[%dma_start3A_506] : memref<95000xi32, #tpu.memory_space<hbm>> -> memref<95000xi32, #tpu.memory_space<hbm>>
      tpu.enqueue_indirect_dma source(%dma_start3A_507 : memref<95000xi32, #tpu.memory_space<hbm>>) target(%dma_start3A_503 : memref<128xi32, #tpu.memory_space<vmem>>) offsets(%dma_start3A_505 : memref<128xi32, #tpu.memory_space<vmem>>) semaphore(%arg10 : memref<!tpu.dma_semaphore, #tpu.memory_space<semaphore_mem>>)
      %dma_start3A_508 = arith.constant 1088 : i32
      %dma_start3A_509 = tpu.memref_slice %arg6[%dma_start3A_508] : memref<1280xi32, #tpu.memory_space<vmem>> -> memref<128xi32, #tpu.memory_space<vmem>>
      %dma_start3A_510 = arith.constant 1088 : i32
      %dma_start3A_511 = tpu.memref_slice %arg5[%dma_start3A_510] : memref<1280xi32, #tpu.memory_space<vmem>> -> memref<128xi32, #tpu.memory_space<vmem>>
      %dma_start3A_512 = arith.constant 0 : i32
      %dma_start3A_513 = tpu.memref_slice %arg2[%dma_start3A_512] : memref<95000xi32, #tpu.memory_space<hbm>> -> memref<95000xi32, #tpu.memory_space<hbm>>
      tpu.enqueue_indirect_dma source(%dma_start3A_513 : memref<95000xi32, #tpu.memory_space<hbm>>) target(%dma_start3A_509 : memref<128xi32, #tpu.memory_space<vmem>>) offsets(%dma_start3A_511 : memref<128xi32, #tpu.memory_space<vmem>>) semaphore(%arg10 : memref<!tpu.dma_semaphore, #tpu.memory_space<semaphore_mem>>)
      %dma_start3A_514 = arith.constant 1216 : i32
      %dma_start3A_515 = tpu.memref_slice %arg6[%dma_start3A_514] : memref<1280xi32, #tpu.memory_space<vmem>> -> memref<64xi32, #tpu.memory_space<vmem>>
      %dma_start3A_516 = arith.constant 1216 : i32
      %dma_start3A_517 = tpu.memref_slice %arg5[%dma_start3A_516] : memref<1280xi32, #tpu.memory_space<vmem>> -> memref<64xi32, #tpu.memory_space<vmem>>
      %dma_start3A_518 = arith.constant 0 : i32
      %dma_start3A_519 = tpu.memref_slice %arg2[%dma_start3A_518] : memref<95000xi32, #tpu.memory_space<hbm>> -> memref<95000xi32, #tpu.memory_space<hbm>>
      tpu.enqueue_indirect_dma source(%dma_start3A_519 : memref<95000xi32, #tpu.memory_space<hbm>>) target(%dma_start3A_515 : memref<64xi32, #tpu.memory_space<vmem>>) offsets(%dma_start3A_517 : memref<64xi32, #tpu.memory_space<vmem>>) semaphore(%arg10 : memref<!tpu.dma_semaphore, #tpu.memory_space<semaphore_mem>>)
      %dma_wait3A = arith.constant 0 : i32
      %dma_wait3A_520 = tpu.memref_slice %arg6[%dma_wait3A] : memref<1280xi32, #tpu.memory_space<vmem>> -> memref<128xi32, #tpu.memory_space<vmem>>
      %dma_wait3A_521 = arith.constant 0 : i32
      %dma_wait3A_522 = tpu.memref_slice %arg5[%dma_wait3A_521] : memref<1280xi32, #tpu.memory_space<vmem>> -> memref<128xi32, #tpu.memory_space<vmem>>
      %dma_wait3A_523 = arith.constant 0 : i32
      %dma_wait3A_524 = tpu.memref_slice %arg2[%dma_wait3A_523] : memref<95000xi32, #tpu.memory_space<hbm>> -> memref<95000xi32, #tpu.memory_space<hbm>>
      tpu.wait_indirect_dma semaphore(%arg7 : memref<!tpu.dma_semaphore, #tpu.memory_space<semaphore_mem>>) src(%dma_wait3A_524 : memref<95000xi32, #tpu.memory_space<hbm>>) dst(%dma_wait3A_520 : memref<128xi32, #tpu.memory_space<vmem>>)
      %dma_wait3A_525 = arith.constant 128 : i32
      %dma_wait3A_526 = tpu.memref_slice %arg6[%dma_wait3A_525] : memref<1280xi32, #tpu.memory_space<vmem>> -> memref<128xi32, #tpu.memory_space<vmem>>
      %dma_wait3A_527 = arith.constant 128 : i32
      %dma_wait3A_528 = tpu.memref_slice %arg5[%dma_wait3A_527] : memref<1280xi32, #tpu.memory_space<vmem>> -> memref<128xi32, #tpu.memory_space<vmem>>
      %dma_wait3A_529 = arith.constant 0 : i32
      %dma_wait3A_530 = tpu.memref_slice %arg2[%dma_wait3A_529] : memref<95000xi32, #tpu.memory_space<hbm>> -> memref<95000xi32, #tpu.memory_space<hbm>>
      tpu.wait_indirect_dma semaphore(%arg7 : memref<!tpu.dma_semaphore, #tpu.memory_space<semaphore_mem>>) src(%dma_wait3A_530 : memref<95000xi32, #tpu.memory_space<hbm>>) dst(%dma_wait3A_526 : memref<128xi32, #tpu.memory_space<vmem>>)
      %dma_wait3A_531 = arith.constant 256 : i32
      %dma_wait3A_532 = tpu.memref_slice %arg6[%dma_wait3A_531] : memref<1280xi32, #tpu.memory_space<vmem>> -> memref<64xi32, #tpu.memory_space<vmem>>
      %dma_wait3A_533 = arith.constant 256 : i32
      %dma_wait3A_534 = tpu.memref_slice %arg5[%dma_wait3A_533] : memref<1280xi32, #tpu.memory_space<vmem>> -> memref<64xi32, #tpu.memory_space<vmem>>
      %dma_wait3A_535 = arith.constant 0 : i32
      %dma_wait3A_536 = tpu.memref_slice %arg2[%dma_wait3A_535] : memref<95000xi32, #tpu.memory_space<hbm>> -> memref<95000xi32, #tpu.memory_space<hbm>>
      tpu.wait_indirect_dma semaphore(%arg7 : memref<!tpu.dma_semaphore, #tpu.memory_space<semaphore_mem>>) src(%dma_wait3A_536 : memref<95000xi32, #tpu.memory_space<hbm>>) dst(%dma_wait3A_532 : memref<64xi32, #tpu.memory_space<vmem>>)
      %add3A_537 = arith.constant 0 : i32
      %add3A_538 = arith.addi %add3A_537, %mul3A_2 : i32
      "tpu.region"() ({
        %run_scoped3A = tpu.sem_alloc : memref<!tpu.dma_semaphore, #tpu.memory_space<semaphore_mem>>
        %dma_start3A_599 = arith.constant 0 : i32
        %dma_start3A_600 = tpu.memref_slice %arg6[%dma_start3A_599] : memref<1280xi32, #tpu.memory_space<vmem>> -> memref<320xi32, #tpu.memory_space<vmem>>
        %dma_start3A_601 = tpu.memref_slice %arg3[%add3A_538] : memref<20000xi32, #tpu.memory_space<hbm>> -> memref<320xi32, #tpu.memory_space<hbm>>
        %dma_start3A_602 = tpu.memref_slice %arg3[%add3A_538] : memref<20000xi32, #tpu.memory_space<hbm>> -> memref<320xi32, #tpu.memory_space<hbm>>
        %dma_start3A_603 = arith.constant 0 : i32
        %dma_start3A_604 = tpu.memref_slice %arg6[%dma_start3A_603] : memref<1280xi32, #tpu.memory_space<vmem>> -> memref<320xi32, #tpu.memory_space<vmem>>
        tpu.enqueue_dma source(%dma_start3A_604 : memref<320xi32, #tpu.memory_space<vmem>>) target(%dma_start3A_602 : memref<320xi32, #tpu.memory_space<hbm>>) target_semaphore(%run_scoped3A : memref<!tpu.dma_semaphore, #tpu.memory_space<semaphore_mem>>)
        %dma_wait3A_605 = arith.constant 0 : i32
        %dma_wait3A_606 = tpu.memref_slice %arg6[%dma_wait3A_605] : memref<1280xi32, #tpu.memory_space<vmem>> -> memref<320xi32, #tpu.memory_space<vmem>>
        %dma_wait3A_607 = tpu.memref_slice %arg3[%add3A_538] : memref<20000xi32, #tpu.memory_space<hbm>> -> memref<320xi32, #tpu.memory_space<hbm>>
        %dma_wait3A_608 = tpu.memref_slice %arg3[%add3A_538] : memref<20000xi32, #tpu.memory_space<hbm>> -> memref<320xi32, #tpu.memory_space<hbm>>
        %dma_wait3A_609 = arith.constant 0 : i32
        %dma_wait3A_610 = tpu.memref_slice %arg6[%dma_wait3A_609] : memref<1280xi32, #tpu.memory_space<vmem>> -> memref<320xi32, #tpu.memory_space<vmem>>
        tpu.wait_dma2 semaphore(%run_scoped3A : memref<!tpu.dma_semaphore, #tpu.memory_space<semaphore_mem>>) src(%dma_wait3A_610 : memref<320xi32, #tpu.memory_space<vmem>>) dst(%dma_wait3A_608 : memref<320xi32, #tpu.memory_space<hbm>>)
        tpu.yield
      }) : () -> ()
      %dma_wait3A_539 = arith.constant 320 : i32
      %dma_wait3A_540 = tpu.memref_slice %arg6[%dma_wait3A_539] : memref<1280xi32, #tpu.memory_space<vmem>> -> memref<128xi32, #tpu.memory_space<vmem>>
      %dma_wait3A_541 = arith.constant 320 : i32
      %dma_wait3A_542 = tpu.memref_slice %arg5[%dma_wait3A_541] : memref<1280xi32, #tpu.memory_space<vmem>> -> memref<128xi32, #tpu.memory_space<vmem>>
      %dma_wait3A_543 = arith.constant 0 : i32
      %dma_wait3A_544 = tpu.memref_slice %arg2[%dma_wait3A_543] : memref<95000xi32, #tpu.memory_space<hbm>> -> memref<95000xi32, #tpu.memory_space<hbm>>
      tpu.wait_indirect_dma semaphore(%arg8 : memref<!tpu.dma_semaphore, #tpu.memory_space<semaphore_mem>>) src(%dma_wait3A_544 : memref<95000xi32, #tpu.memory_space<hbm>>) dst(%dma_wait3A_540 : memref<128xi32, #tpu.memory_space<vmem>>)
      %dma_wait3A_545 = arith.constant 448 : i32
      %dma_wait3A_546 = tpu.memref_slice %arg6[%dma_wait3A_545] : memref<1280xi32, #tpu.memory_space<vmem>> -> memref<128xi32, #tpu.memory_space<vmem>>
      %dma_wait3A_547 = arith.constant 448 : i32
      %dma_wait3A_548 = tpu.memref_slice %arg5[%dma_wait3A_547] : memref<1280xi32, #tpu.memory_space<vmem>> -> memref<128xi32, #tpu.memory_space<vmem>>
      %dma_wait3A_549 = arith.constant 0 : i32
      %dma_wait3A_550 = tpu.memref_slice %arg2[%dma_wait3A_549] : memref<95000xi32, #tpu.memory_space<hbm>> -> memref<95000xi32, #tpu.memory_space<hbm>>
      tpu.wait_indirect_dma semaphore(%arg8 : memref<!tpu.dma_semaphore, #tpu.memory_space<semaphore_mem>>) src(%dma_wait3A_550 : memref<95000xi32, #tpu.memory_space<hbm>>) dst(%dma_wait3A_546 : memref<128xi32, #tpu.memory_space<vmem>>)
      %dma_wait3A_551 = arith.constant 576 : i32
      %dma_wait3A_552 = tpu.memref_slice %arg6[%dma_wait3A_551] : memref<1280xi32, #tpu.memory_space<vmem>> -> memref<64xi32, #tpu.memory_space<vmem>>
      %dma_wait3A_553 = arith.constant 576 : i32
      %dma_wait3A_554 = tpu.memref_slice %arg5[%dma_wait3A_553] : memref<1280xi32, #tpu.memory_space<vmem>> -> memref<64xi32, #tpu.memory_space<vmem>>
      %dma_wait3A_555 = arith.constant 0 : i32
      %dma_wait3A_556 = tpu.memref_slice %arg2[%dma_wait3A_555] : memref<95000xi32, #tpu.memory_space<hbm>> -> memref<95000xi32, #tpu.memory_space<hbm>>
      tpu.wait_indirect_dma semaphore(%arg8 : memref<!tpu.dma_semaphore, #tpu.memory_space<semaphore_mem>>) src(%dma_wait3A_556 : memref<95000xi32, #tpu.memory_space<hbm>>) dst(%dma_wait3A_552 : memref<64xi32, #tpu.memory_space<vmem>>)
      %add3A_557 = arith.constant 5000 : i32
      %add3A_558 = arith.addi %add3A_557, %mul3A_2 : i32
      "tpu.region"() ({
        %run_scoped3A = tpu.sem_alloc : memref<!tpu.dma_semaphore, #tpu.memory_space<semaphore_mem>>
        %dma_start3A_599 = arith.constant 320 : i32
        %dma_start3A_600 = tpu.memref_slice %arg6[%dma_start3A_599] : memref<1280xi32, #tpu.memory_space<vmem>> -> memref<320xi32, #tpu.memory_space<vmem>>
        %dma_start3A_601 = tpu.memref_slice %arg3[%add3A_558] : memref<20000xi32, #tpu.memory_space<hbm>> -> memref<320xi32, #tpu.memory_space<hbm>>
        %dma_start3A_602 = tpu.memref_slice %arg3[%add3A_558] : memref<20000xi32, #tpu.memory_space<hbm>> -> memref<320xi32, #tpu.memory_space<hbm>>
        %dma_start3A_603 = arith.constant 320 : i32
        %dma_start3A_604 = tpu.memref_slice %arg6[%dma_start3A_603] : memref<1280xi32, #tpu.memory_space<vmem>> -> memref<320xi32, #tpu.memory_space<vmem>>
        tpu.enqueue_dma source(%dma_start3A_604 : memref<320xi32, #tpu.memory_space<vmem>>) target(%dma_start3A_602 : memref<320xi32, #tpu.memory_space<hbm>>) target_semaphore(%run_scoped3A : memref<!tpu.dma_semaphore, #tpu.memory_space<semaphore_mem>>)
        %dma_wait3A_605 = arith.constant 320 : i32
        %dma_wait3A_606 = tpu.memref_slice %arg6[%dma_wait3A_605] : memref<1280xi32, #tpu.memory_space<vmem>> -> memref<320xi32, #tpu.memory_space<vmem>>
        %dma_wait3A_607 = tpu.memref_slice %arg3[%add3A_558] : memref<20000xi32, #tpu.memory_space<hbm>> -> memref<320xi32, #tpu.memory_space<hbm>>
        %dma_wait3A_608 = tpu.memref_slice %arg3[%add3A_558] : memref<20000xi32, #tpu.memory_space<hbm>> -> memref<320xi32, #tpu.memory_space<hbm>>
        %dma_wait3A_609 = arith.constant 320 : i32
        %dma_wait3A_610 = tpu.memref_slice %arg6[%dma_wait3A_609] : memref<1280xi32, #tpu.memory_space<vmem>> -> memref<320xi32, #tpu.memory_space<vmem>>
        tpu.wait_dma2 semaphore(%run_scoped3A : memref<!tpu.dma_semaphore, #tpu.memory_space<semaphore_mem>>) src(%dma_wait3A_610 : memref<320xi32, #tpu.memory_space<vmem>>) dst(%dma_wait3A_608 : memref<320xi32, #tpu.memory_space<hbm>>)
        tpu.yield
      }) : () -> ()
      %dma_wait3A_559 = arith.constant 640 : i32
      %dma_wait3A_560 = tpu.memref_slice %arg6[%dma_wait3A_559] : memref<1280xi32, #tpu.memory_space<vmem>> -> memref<128xi32, #tpu.memory_space<vmem>>
      %dma_wait3A_561 = arith.constant 640 : i32
      %dma_wait3A_562 = tpu.memref_slice %arg5[%dma_wait3A_561] : memref<1280xi32, #tpu.memory_space<vmem>> -> memref<128xi32, #tpu.memory_space<vmem>>
      %dma_wait3A_563 = arith.constant 0 : i32
      %dma_wait3A_564 = tpu.memref_slice %arg2[%dma_wait3A_563] : memref<95000xi32, #tpu.memory_space<hbm>> -> memref<95000xi32, #tpu.memory_space<hbm>>
      tpu.wait_indirect_dma semaphore(%arg9 : memref<!tpu.dma_semaphore, #tpu.memory_space<semaphore_mem>>) src(%dma_wait3A_564 : memref<95000xi32, #tpu.memory_space<hbm>>) dst(%dma_wait3A_560 : memref<128xi32, #tpu.memory_space<vmem>>)
      %dma_wait3A_565 = arith.constant 768 : i32
      %dma_wait3A_566 = tpu.memref_slice %arg6[%dma_wait3A_565] : memref<1280xi32, #tpu.memory_space<vmem>> -> memref<128xi32, #tpu.memory_space<vmem>>
      %dma_wait3A_567 = arith.constant 768 : i32
      %dma_wait3A_568 = tpu.memref_slice %arg5[%dma_wait3A_567] : memref<1280xi32, #tpu.memory_space<vmem>> -> memref<128xi32, #tpu.memory_space<vmem>>
      %dma_wait3A_569 = arith.constant 0 : i32
      %dma_wait3A_570 = tpu.memref_slice %arg2[%dma_wait3A_569] : memref<95000xi32, #tpu.memory_space<hbm>> -> memref<95000xi32, #tpu.memory_space<hbm>>
      tpu.wait_indirect_dma semaphore(%arg9 : memref<!tpu.dma_semaphore, #tpu.memory_space<semaphore_mem>>) src(%dma_wait3A_570 : memref<95000xi32, #tpu.memory_space<hbm>>) dst(%dma_wait3A_566 : memref<128xi32, #tpu.memory_space<vmem>>)
      %dma_wait3A_571 = arith.constant 896 : i32
      %dma_wait3A_572 = tpu.memref_slice %arg6[%dma_wait3A_571] : memref<1280xi32, #tpu.memory_space<vmem>> -> memref<64xi32, #tpu.memory_space<vmem>>
      %dma_wait3A_573 = arith.constant 896 : i32
      %dma_wait3A_574 = tpu.memref_slice %arg5[%dma_wait3A_573] : memref<1280xi32, #tpu.memory_space<vmem>> -> memref<64xi32, #tpu.memory_space<vmem>>
      %dma_wait3A_575 = arith.constant 0 : i32
      %dma_wait3A_576 = tpu.memref_slice %arg2[%dma_wait3A_575] : memref<95000xi32, #tpu.memory_space<hbm>> -> memref<95000xi32, #tpu.memory_space<hbm>>
      tpu.wait_indirect_dma semaphore(%arg9 : memref<!tpu.dma_semaphore, #tpu.memory_space<semaphore_mem>>) src(%dma_wait3A_576 : memref<95000xi32, #tpu.memory_space<hbm>>) dst(%dma_wait3A_572 : memref<64xi32, #tpu.memory_space<vmem>>)
      %add3A_577 = arith.constant 10000 : i32
      %add3A_578 = arith.addi %add3A_577, %mul3A_2 : i32
      "tpu.region"() ({
        %run_scoped3A = tpu.sem_alloc : memref<!tpu.dma_semaphore, #tpu.memory_space<semaphore_mem>>
        %dma_start3A_599 = arith.constant 640 : i32
        %dma_start3A_600 = tpu.memref_slice %arg6[%dma_start3A_599] : memref<1280xi32, #tpu.memory_space<vmem>> -> memref<320xi32, #tpu.memory_space<vmem>>
        %dma_start3A_601 = tpu.memref_slice %arg3[%add3A_578] : memref<20000xi32, #tpu.memory_space<hbm>> -> memref<320xi32, #tpu.memory_space<hbm>>
        %dma_start3A_602 = tpu.memref_slice %arg3[%add3A_578] : memref<20000xi32, #tpu.memory_space<hbm>> -> memref<320xi32, #tpu.memory_space<hbm>>
        %dma_start3A_603 = arith.constant 640 : i32
        %dma_start3A_604 = tpu.memref_slice %arg6[%dma_start3A_603] : memref<1280xi32, #tpu.memory_space<vmem>> -> memref<320xi32, #tpu.memory_space<vmem>>
        tpu.enqueue_dma source(%dma_start3A_604 : memref<320xi32, #tpu.memory_space<vmem>>) target(%dma_start3A_602 : memref<320xi32, #tpu.memory_space<hbm>>) target_semaphore(%run_scoped3A : memref<!tpu.dma_semaphore, #tpu.memory_space<semaphore_mem>>)
        %dma_wait3A_605 = arith.constant 640 : i32
        %dma_wait3A_606 = tpu.memref_slice %arg6[%dma_wait3A_605] : memref<1280xi32, #tpu.memory_space<vmem>> -> memref<320xi32, #tpu.memory_space<vmem>>
        %dma_wait3A_607 = tpu.memref_slice %arg3[%add3A_578] : memref<20000xi32, #tpu.memory_space<hbm>> -> memref<320xi32, #tpu.memory_space<hbm>>
        %dma_wait3A_608 = tpu.memref_slice %arg3[%add3A_578] : memref<20000xi32, #tpu.memory_space<hbm>> -> memref<320xi32, #tpu.memory_space<hbm>>
        %dma_wait3A_609 = arith.constant 640 : i32
        %dma_wait3A_610 = tpu.memref_slice %arg6[%dma_wait3A_609] : memref<1280xi32, #tpu.memory_space<vmem>> -> memref<320xi32, #tpu.memory_space<vmem>>
        tpu.wait_dma2 semaphore(%run_scoped3A : memref<!tpu.dma_semaphore, #tpu.memory_space<semaphore_mem>>) src(%dma_wait3A_610 : memref<320xi32, #tpu.memory_space<vmem>>) dst(%dma_wait3A_608 : memref<320xi32, #tpu.memory_space<hbm>>)
        tpu.yield
      }) : () -> ()
      %dma_wait3A_579 = arith.constant 960 : i32
      %dma_wait3A_580 = tpu.memref_slice %arg6[%dma_wait3A_579] : memref<1280xi32, #tpu.memory_space<vmem>> -> memref<128xi32, #tpu.memory_space<vmem>>
      %dma_wait3A_581 = arith.constant 960 : i32
      %dma_wait3A_582 = tpu.memref_slice %arg5[%dma_wait3A_581] : memref<1280xi32, #tpu.memory_space<vmem>> -> memref<128xi32, #tpu.memory_space<vmem>>
      %dma_wait3A_583 = arith.constant 0 : i32
      %dma_wait3A_584 = tpu.memref_slice %arg2[%dma_wait3A_583] : memref<95000xi32, #tpu.memory_space<hbm>> -> memref<95000xi32, #tpu.memory_space<hbm>>
      tpu.wait_indirect_dma semaphore(%arg10 : memref<!tpu.dma_semaphore, #tpu.memory_space<semaphore_mem>>) src(%dma_wait3A_584 : memref<95000xi32, #tpu.memory_space<hbm>>) dst(%dma_wait3A_580 : memref<128xi32, #tpu.memory_space<vmem>>)
      %dma_wait3A_585 = arith.constant 1088 : i32
      %dma_wait3A_586 = tpu.memref_slice %arg6[%dma_wait3A_585] : memref<1280xi32, #tpu.memory_space<vmem>> -> memref<128xi32, #tpu.memory_space<vmem>>
      %dma_wait3A_587 = arith.constant 1088 : i32
      %dma_wait3A_588 = tpu.memref_slice %arg5[%dma_wait3A_587] : memref<1280xi32, #tpu.memory_space<vmem>> -> memref<128xi32, #tpu.memory_space<vmem>>
      %dma_wait3A_589 = arith.constant 0 : i32
      %dma_wait3A_590 = tpu.memref_slice %arg2[%dma_wait3A_589] : memref<95000xi32, #tpu.memory_space<hbm>> -> memref<95000xi32, #tpu.memory_space<hbm>>
      tpu.wait_indirect_dma semaphore(%arg10 : memref<!tpu.dma_semaphore, #tpu.memory_space<semaphore_mem>>) src(%dma_wait3A_590 : memref<95000xi32, #tpu.memory_space<hbm>>) dst(%dma_wait3A_586 : memref<128xi32, #tpu.memory_space<vmem>>)
      %dma_wait3A_591 = arith.constant 1216 : i32
      %dma_wait3A_592 = tpu.memref_slice %arg6[%dma_wait3A_591] : memref<1280xi32, #tpu.memory_space<vmem>> -> memref<64xi32, #tpu.memory_space<vmem>>
      %dma_wait3A_593 = arith.constant 1216 : i32
      %dma_wait3A_594 = tpu.memref_slice %arg5[%dma_wait3A_593] : memref<1280xi32, #tpu.memory_space<vmem>> -> memref<64xi32, #tpu.memory_space<vmem>>
      %dma_wait3A_595 = arith.constant 0 : i32
      %dma_wait3A_596 = tpu.memref_slice %arg2[%dma_wait3A_595] : memref<95000xi32, #tpu.memory_space<hbm>> -> memref<95000xi32, #tpu.memory_space<hbm>>
      tpu.wait_indirect_dma semaphore(%arg10 : memref<!tpu.dma_semaphore, #tpu.memory_space<semaphore_mem>>) src(%dma_wait3A_596 : memref<95000xi32, #tpu.memory_space<hbm>>) dst(%dma_wait3A_592 : memref<64xi32, #tpu.memory_space<vmem>>)
      %add3A_597 = arith.constant 15000 : i32
      %add3A_598 = arith.addi %add3A_597, %mul3A_2 : i32
      "tpu.region"() ({
        %run_scoped3A = tpu.sem_alloc : memref<!tpu.dma_semaphore, #tpu.memory_space<semaphore_mem>>
        %dma_start3A_599 = arith.constant 960 : i32
        %dma_start3A_600 = tpu.memref_slice %arg6[%dma_start3A_599] : memref<1280xi32, #tpu.memory_space<vmem>> -> memref<320xi32, #tpu.memory_space<vmem>>
        %dma_start3A_601 = tpu.memref_slice %arg3[%add3A_598] : memref<20000xi32, #tpu.memory_space<hbm>> -> memref<320xi32, #tpu.memory_space<hbm>>
        %dma_start3A_602 = tpu.memref_slice %arg3[%add3A_598] : memref<20000xi32, #tpu.memory_space<hbm>> -> memref<320xi32, #tpu.memory_space<hbm>>
        %dma_start3A_603 = arith.constant 960 : i32
        %dma_start3A_604 = tpu.memref_slice %arg6[%dma_start3A_603] : memref<1280xi32, #tpu.memory_space<vmem>> -> memref<320xi32, #tpu.memory_space<vmem>>
        tpu.enqueue_dma source(%dma_start3A_604 : memref<320xi32, #tpu.memory_space<vmem>>) target(%dma_start3A_602 : memref<320xi32, #tpu.memory_space<hbm>>) target_semaphore(%run_scoped3A : memref<!tpu.dma_semaphore, #tpu.memory_space<semaphore_mem>>)
        %dma_wait3A_605 = arith.constant 960 : i32
        %dma_wait3A_606 = tpu.memref_slice %arg6[%dma_wait3A_605] : memref<1280xi32, #tpu.memory_space<vmem>> -> memref<320xi32, #tpu.memory_space<vmem>>
        %dma_wait3A_607 = tpu.memref_slice %arg3[%add3A_598] : memref<20000xi32, #tpu.memory_space<hbm>> -> memref<320xi32, #tpu.memory_space<hbm>>
        %dma_wait3A_608 = tpu.memref_slice %arg3[%add3A_598] : memref<20000xi32, #tpu.memory_space<hbm>> -> memref<320xi32, #tpu.memory_space<hbm>>
        %dma_wait3A_609 = arith.constant 960 : i32
        %dma_wait3A_610 = tpu.memref_slice %arg6[%dma_wait3A_609] : memref<1280xi32, #tpu.memory_space<vmem>> -> memref<320xi32, #tpu.memory_space<vmem>>
        tpu.wait_dma2 semaphore(%run_scoped3A : memref<!tpu.dma_semaphore, #tpu.memory_space<semaphore_mem>>) src(%dma_wait3A_610 : memref<320xi32, #tpu.memory_space<vmem>>) dst(%dma_wait3A_608 : memref<320xi32, #tpu.memory_space<hbm>>)
        tpu.yield
      }) : () -> ()
    } else {
    }
    %eq3A = arith.constant 15 : i32
    %eq3A_5 = arith.cmpi eq, %add3A, %eq3A : i32
    %convert_element_type3A_6 = arith.extui %eq3A_5 : i1 to i32
    %cond3A_7 = arith.constant 0 : i32
    %cond3A_8 = arith.cmpi ne, %convert_element_type3A_6, %cond3A_7 : i32
    scf.if %cond3A_8 {
      %add3A_9 = arith.constant 10000 : i32
      %add3A_10 = arith.addi %add3A_9, %mul3A_2 : i32
      "tpu.region"() ({
        %run_scoped3A = tpu.sem_alloc : memref<!tpu.dma_semaphore, #tpu.memory_space<semaphore_mem>>
        %dma_start3A_533 = arith.constant 0 : i32
        %dma_start3A_534 = tpu.memref_slice %arg4[%dma_start3A_533] : memref<320xi32, #tpu.memory_space<vmem>> -> memref<200xi32, #tpu.memory_space<vmem>>
        %dma_start3A_535 = tpu.memref_slice %arg2[%add3A_10] : memref<95000xi32, #tpu.memory_space<hbm>> -> memref<200xi32, #tpu.memory_space<hbm>>
        %dma_start3A_536 = arith.constant 0 : i32
        %dma_start3A_537 = tpu.memref_slice %arg4[%dma_start3A_536] : memref<320xi32, #tpu.memory_space<vmem>> -> memref<200xi32, #tpu.memory_space<vmem>>
        %dma_start3A_538 = tpu.memref_slice %arg2[%add3A_10] : memref<95000xi32, #tpu.memory_space<hbm>> -> memref<200xi32, #tpu.memory_space<hbm>>
        tpu.enqueue_dma source(%dma_start3A_538 : memref<200xi32, #tpu.memory_space<hbm>>) target(%dma_start3A_537 : memref<200xi32, #tpu.memory_space<vmem>>) target_semaphore(%run_scoped3A : memref<!tpu.dma_semaphore, #tpu.memory_space<semaphore_mem>>)
        %dma_wait3A_539 = arith.constant 0 : i32
        %dma_wait3A_540 = tpu.memref_slice %arg4[%dma_wait3A_539] : memref<320xi32, #tpu.memory_space<vmem>> -> memref<200xi32, #tpu.memory_space<vmem>>
        %dma_wait3A_541 = tpu.memref_slice %arg2[%add3A_10] : memref<95000xi32, #tpu.memory_space<hbm>> -> memref<200xi32, #tpu.memory_space<hbm>>
        %dma_wait3A_542 = arith.constant 0 : i32
        %dma_wait3A_543 = tpu.memref_slice %arg4[%dma_wait3A_542] : memref<320xi32, #tpu.memory_space<vmem>> -> memref<200xi32, #tpu.memory_space<vmem>>
        %dma_wait3A_544 = tpu.memref_slice %arg2[%add3A_10] : memref<95000xi32, #tpu.memory_space<hbm>> -> memref<200xi32, #tpu.memory_space<hbm>>
        tpu.wait_dma2 semaphore(%run_scoped3A : memref<!tpu.dma_semaphore, #tpu.memory_space<semaphore_mem>>) src(%dma_wait3A_544 : memref<200xi32, #tpu.memory_space<hbm>>) dst(%dma_wait3A_543 : memref<200xi32, #tpu.memory_space<vmem>>)
        tpu.yield
      }) : () -> ()
      %get3A = arith.constant 0 : index
      %get3A_11 = tpu.vector_load %arg4[%get3A] {strides = array<i32>} : memref<320xi32, #tpu.memory_space<vmem>>, vector<16xi32>,
      %max3A = arith.constant 0 : i32
      %max3A_12 = vector.broadcast %max3A : i32 to vector<16xi32>
      %max3A_13 = arith.maxsi %get3A_11, %max3A_12 : vector<16xi32>
      %min3A = arith.constant 19999 : i32
      %min3A_14 = vector.broadcast %min3A : i32 to vector<16xi32>
      %min3A_15 = arith.minsi %max3A_13, %min3A_14 : vector<16xi32>
      %add3A_16 = arith.constant 15000 : i32
      %add3A_17 = vector.broadcast %add3A_16 : i32 to vector<16xi32>
      %add3A_18 = arith.addi %min3A_15, %add3A_17 : vector<16xi32>
      %swap3A = arith.constant 0 : index
      %swap3A_19 = tpu.vector_load %arg5[%swap3A] {strides = array<i32>} : memref<1280xi32, #tpu.memory_space<vmem>>, vector<16xi32>,
      tpu.vector_store %arg5[%swap3A], %add3A_18 {strides = array<i32>} : memref<1280xi32, #tpu.memory_space<vmem>>, vector<16xi32>,
      %add3A_20 = arith.constant 35000 : i32
      %add3A_21 = vector.broadcast %add3A_20 : i32 to vector<16xi32>
      %add3A_22 = arith.addi %min3A_15, %add3A_21 : vector<16xi32>
      %swap3A_23 = arith.constant 208 : index
      %swap3A_24 = tpu.vector_load %arg5[%swap3A_23] {strides = array<i32>} : memref<1280xi32, #tpu.memory_space<vmem>>, vector<16xi32>,
      tpu.vector_store %arg5[%swap3A_23], %add3A_22 {strides = array<i32>} : memref<1280xi32, #tpu.memory_space<vmem>>, vector<16xi32>,
      %add3A_25 = arith.constant 55000 : i32
      %add3A_26 = vector.broadcast %add3A_25 : i32 to vector<16xi32>
      %add3A_27 = arith.addi %min3A_15, %add3A_26 : vector<16xi32>
      %swap3A_28 = arith.constant 416 : index
      %swap3A_29 = tpu.vector_load %arg5[%swap3A_28] {strides = array<i32>} : memref<1280xi32, #tpu.memory_space<vmem>>, vector<16xi32>,
      tpu.vector_store %arg5[%swap3A_28], %add3A_27 {strides = array<i32>} : memref<1280xi32, #tpu.memory_space<vmem>>, vector<16xi32>,
      %add3A_30 = arith.constant 75000 : i32
      %add3A_31 = vector.broadcast %add3A_30 : i32 to vector<16xi32>
      %add3A_32 = arith.addi %min3A_15, %add3A_31 : vector<16xi32>
      %swap3A_33 = arith.constant 624 : index
      %swap3A_34 = tpu.vector_load %arg5[%swap3A_33] {strides = array<i32>} : memref<1280xi32, #tpu.memory_space<vmem>>, vector<16xi32>,
      tpu.vector_store %arg5[%swap3A_33], %add3A_32 {strides = array<i32>} : memref<1280xi32, #tpu.memory_space<vmem>>, vector<16xi32>,
      %get3A_35 = arith.constant 16 : index
      %get3A_36 = tpu.vector_load %arg4[%get3A_35] {strides = array<i32>} : memref<320xi32, #tpu.memory_space<vmem>>, vector<16xi32>,
      %max3A_37 = arith.constant 0 : i32
      %max3A_38 = vector.broadcast %max3A_37 : i32 to vector<16xi32>
      %max3A_39 = arith.maxsi %get3A_36, %max3A_38 : vector<16xi32>
      %min3A_40 = arith.constant 19999 : i32
      %min3A_41 = vector.broadcast %min3A_40 : i32 to vector<16xi32>
      %min3A_42 = arith.minsi %max3A_39, %min3A_41 : vector<16xi32>
      %add3A_43 = arith.constant 15000 : i32
      %add3A_44 = vector.broadcast %add3A_43 : i32 to vector<16xi32>
      %add3A_45 = arith.addi %min3A_42, %add3A_44 : vector<16xi32>
      %swap3A_46 = arith.constant 16 : index
      %swap3A_47 = tpu.vector_load %arg5[%swap3A_46] {strides = array<i32>} : memref<1280xi32, #tpu.memory_space<vmem>>, vector<16xi32>,
      tpu.vector_store %arg5[%swap3A_46], %add3A_45 {strides = array<i32>} : memref<1280xi32, #tpu.memory_space<vmem>>, vector<16xi32>,
      %add3A_48 = arith.constant 35000 : i32
      %add3A_49 = vector.broadcast %add3A_48 : i32 to vector<16xi32>
      %add3A_50 = arith.addi %min3A_42, %add3A_49 : vector<16xi32>
      %swap3A_51 = arith.constant 224 : index
      %swap3A_52 = tpu.vector_load %arg5[%swap3A_51] {strides = array<i32>} : memref<1280xi32, #tpu.memory_space<vmem>>, vector<16xi32>,
      tpu.vector_store %arg5[%swap3A_51], %add3A_50 {strides = array<i32>} : memref<1280xi32, #tpu.memory_space<vmem>>, vector<16xi32>,
      %add3A_53 = arith.constant 55000 : i32
      %add3A_54 = vector.broadcast %add3A_53 : i32 to vector<16xi32>
      %add3A_55 = arith.addi %min3A_42, %add3A_54 : vector<16xi32>
      %swap3A_56 = arith.constant 432 : index
      %swap3A_57 = tpu.vector_load %arg5[%swap3A_56] {strides = array<i32>} : memref<1280xi32, #tpu.memory_space<vmem>>, vector<16xi32>,
      tpu.vector_store %arg5[%swap3A_56], %add3A_55 {strides = array<i32>} : memref<1280xi32, #tpu.memory_space<vmem>>, vector<16xi32>,
      %add3A_58 = arith.constant 75000 : i32
      %add3A_59 = vector.broadcast %add3A_58 : i32 to vector<16xi32>
      %add3A_60 = arith.addi %min3A_42, %add3A_59 : vector<16xi32>
      %swap3A_61 = arith.constant 640 : index
      %swap3A_62 = tpu.vector_load %arg5[%swap3A_61] {strides = array<i32>} : memref<1280xi32, #tpu.memory_space<vmem>>, vector<16xi32>,
      tpu.vector_store %arg5[%swap3A_61], %add3A_60 {strides = array<i32>} : memref<1280xi32, #tpu.memory_space<vmem>>, vector<16xi32>,
      %get3A_63 = arith.constant 32 : index
      %get3A_64 = tpu.vector_load %arg4[%get3A_63] {strides = array<i32>} : memref<320xi32, #tpu.memory_space<vmem>>, vector<16xi32>,
      %max3A_65 = arith.constant 0 : i32
      %max3A_66 = vector.broadcast %max3A_65 : i32 to vector<16xi32>
      %max3A_67 = arith.maxsi %get3A_64, %max3A_66 : vector<16xi32>
      %min3A_68 = arith.constant 19999 : i32
      %min3A_69 = vector.broadcast %min3A_68 : i32 to vector<16xi32>
      %min3A_70 = arith.minsi %max3A_67, %min3A_69 : vector<16xi32>
      %add3A_71 = arith.constant 15000 : i32
      %add3A_72 = vector.broadcast %add3A_71 : i32 to vector<16xi32>
      %add3A_73 = arith.addi %min3A_70, %add3A_72 : vector<16xi32>
      %swap3A_74 = arith.constant 32 : index
      %swap3A_75 = tpu.vector_load %arg5[%swap3A_74] {strides = array<i32>} : memref<1280xi32, #tpu.memory_space<vmem>>, vector<16xi32>,
      tpu.vector_store %arg5[%swap3A_74], %add3A_73 {strides = array<i32>} : memref<1280xi32, #tpu.memory_space<vmem>>, vector<16xi32>,
      %add3A_76 = arith.constant 35000 : i32
      %add3A_77 = vector.broadcast %add3A_76 : i32 to vector<16xi32>
      %add3A_78 = arith.addi %min3A_70, %add3A_77 : vector<16xi32>
      %swap3A_79 = arith.constant 240 : index
      %swap3A_80 = tpu.vector_load %arg5[%swap3A_79] {strides = array<i32>} : memref<1280xi32, #tpu.memory_space<vmem>>, vector<16xi32>,
      tpu.vector_store %arg5[%swap3A_79], %add3A_78 {strides = array<i32>} : memref<1280xi32, #tpu.memory_space<vmem>>, vector<16xi32>,
      %add3A_81 = arith.constant 55000 : i32
      %add3A_82 = vector.broadcast %add3A_81 : i32 to vector<16xi32>
      %add3A_83 = arith.addi %min3A_70, %add3A_82 : vector<16xi32>
      %swap3A_84 = arith.constant 448 : index
      %swap3A_85 = tpu.vector_load %arg5[%swap3A_84] {strides = array<i32>} : memref<1280xi32, #tpu.memory_space<vmem>>, vector<16xi32>,
      tpu.vector_store %arg5[%swap3A_84], %add3A_83 {strides = array<i32>} : memref<1280xi32, #tpu.memory_space<vmem>>, vector<16xi32>,
      %add3A_86 = arith.constant 75000 : i32
      %add3A_87 = vector.broadcast %add3A_86 : i32 to vector<16xi32>
      %add3A_88 = arith.addi %min3A_70, %add3A_87 : vector<16xi32>
      %swap3A_89 = arith.constant 656 : index
      %swap3A_90 = tpu.vector_load %arg5[%swap3A_89] {strides = array<i32>} : memref<1280xi32, #tpu.memory_space<vmem>>, vector<16xi32>,
      tpu.vector_store %arg5[%swap3A_89], %add3A_88 {strides = array<i32>} : memref<1280xi32, #tpu.memory_space<vmem>>, vector<16xi32>,
      %get3A_91 = arith.constant 48 : index
      %get3A_92 = tpu.vector_load %arg4[%get3A_91] {strides = array<i32>} : memref<320xi32, #tpu.memory_space<vmem>>, vector<16xi32>,
      %max3A_93 = arith.constant 0 : i32
      %max3A_94 = vector.broadcast %max3A_93 : i32 to vector<16xi32>
      %max3A_95 = arith.maxsi %get3A_92, %max3A_94 : vector<16xi32>
      %min3A_96 = arith.constant 19999 : i32
      %min3A_97 = vector.broadcast %min3A_96 : i32 to vector<16xi32>
      %min3A_98 = arith.minsi %max3A_95, %min3A_97 : vector<16xi32>
      %add3A_99 = arith.constant 15000 : i32
      %add3A_100 = vector.broadcast %add3A_99 : i32 to vector<16xi32>
      %add3A_101 = arith.addi %min3A_98, %add3A_100 : vector<16xi32>
      %swap3A_102 = arith.constant 48 : index
      %swap3A_103 = tpu.vector_load %arg5[%swap3A_102] {strides = array<i32>} : memref<1280xi32, #tpu.memory_space<vmem>>, vector<16xi32>,
      tpu.vector_store %arg5[%swap3A_102], %add3A_101 {strides = array<i32>} : memref<1280xi32, #tpu.memory_space<vmem>>, vector<16xi32>,
      %add3A_104 = arith.constant 35000 : i32
      %add3A_105 = vector.broadcast %add3A_104 : i32 to vector<16xi32>
      %add3A_106 = arith.addi %min3A_98, %add3A_105 : vector<16xi32>
      %swap3A_107 = arith.constant 256 : index
      %swap3A_108 = tpu.vector_load %arg5[%swap3A_107] {strides = array<i32>} : memref<1280xi32, #tpu.memory_space<vmem>>, vector<16xi32>,
      tpu.vector_store %arg5[%swap3A_107], %add3A_106 {strides = array<i32>} : memref<1280xi32, #tpu.memory_space<vmem>>, vector<16xi32>,
      %add3A_109 = arith.constant 55000 : i32
      %add3A_110 = vector.broadcast %add3A_109 : i32 to vector<16xi32>
      %add3A_111 = arith.addi %min3A_98, %add3A_110 : vector<16xi32>
      %swap3A_112 = arith.constant 464 : index
      %swap3A_113 = tpu.vector_load %arg5[%swap3A_112] {strides = array<i32>} : memref<1280xi32, #tpu.memory_space<vmem>>, vector<16xi32>,
      tpu.vector_store %arg5[%swap3A_112], %add3A_111 {strides = array<i32>} : memref<1280xi32, #tpu.memory_space<vmem>>, vector<16xi32>,
      %add3A_114 = arith.constant 75000 : i32
      %add3A_115 = vector.broadcast %add3A_114 : i32 to vector<16xi32>
      %add3A_116 = arith.addi %min3A_98, %add3A_115 : vector<16xi32>
      %swap3A_117 = arith.constant 672 : index
      %swap3A_118 = tpu.vector_load %arg5[%swap3A_117] {strides = array<i32>} : memref<1280xi32, #tpu.memory_space<vmem>>, vector<16xi32>,
      tpu.vector_store %arg5[%swap3A_117], %add3A_116 {strides = array<i32>} : memref<1280xi32, #tpu.memory_space<vmem>>, vector<16xi32>,
      %get3A_119 = arith.constant 64 : index
      %get3A_120 = tpu.vector_load %arg4[%get3A_119] {strides = array<i32>} : memref<320xi32, #tpu.memory_space<vmem>>, vector<16xi32>,
      %max3A_121 = arith.constant 0 : i32
      %max3A_122 = vector.broadcast %max3A_121 : i32 to vector<16xi32>
      %max3A_123 = arith.maxsi %get3A_120, %max3A_122 : vector<16xi32>
      %min3A_124 = arith.constant 19999 : i32
      %min3A_125 = vector.broadcast %min3A_124 : i32 to vector<16xi32>
      %min3A_126 = arith.minsi %max3A_123, %min3A_125 : vector<16xi32>
      %add3A_127 = arith.constant 15000 : i32
      %add3A_128 = vector.broadcast %add3A_127 : i32 to vector<16xi32>
      %add3A_129 = arith.addi %min3A_126, %add3A_128 : vector<16xi32>
      %swap3A_130 = arith.constant 64 : index
      %swap3A_131 = tpu.vector_load %arg5[%swap3A_130] {strides = array<i32>} : memref<1280xi32, #tpu.memory_space<vmem>>, vector<16xi32>,
      tpu.vector_store %arg5[%swap3A_130], %add3A_129 {strides = array<i32>} : memref<1280xi32, #tpu.memory_space<vmem>>, vector<16xi32>,
      %add3A_132 = arith.constant 35000 : i32
      %add3A_133 = vector.broadcast %add3A_132 : i32 to vector<16xi32>
      %add3A_134 = arith.addi %min3A_126, %add3A_133 : vector<16xi32>
      %swap3A_135 = arith.constant 272 : index
      %swap3A_136 = tpu.vector_load %arg5[%swap3A_135] {strides = array<i32>} : memref<1280xi32, #tpu.memory_space<vmem>>, vector<16xi32>,
      tpu.vector_store %arg5[%swap3A_135], %add3A_134 {strides = array<i32>} : memref<1280xi32, #tpu.memory_space<vmem>>, vector<16xi32>,
      %add3A_137 = arith.constant 55000 : i32
      %add3A_138 = vector.broadcast %add3A_137 : i32 to vector<16xi32>
      %add3A_139 = arith.addi %min3A_126, %add3A_138 : vector<16xi32>
      %swap3A_140 = arith.constant 480 : index
      %swap3A_141 = tpu.vector_load %arg5[%swap3A_140] {strides = array<i32>} : memref<1280xi32, #tpu.memory_space<vmem>>, vector<16xi32>,
      tpu.vector_store %arg5[%swap3A_140], %add3A_139 {strides = array<i32>} : memref<1280xi32, #tpu.memory_space<vmem>>, vector<16xi32>,
      %add3A_142 = arith.constant 75000 : i32
      %add3A_143 = vector.broadcast %add3A_142 : i32 to vector<16xi32>
      %add3A_144 = arith.addi %min3A_126, %add3A_143 : vector<16xi32>
      %swap3A_145 = arith.constant 688 : index
      %swap3A_146 = tpu.vector_load %arg5[%swap3A_145] {strides = array<i32>} : memref<1280xi32, #tpu.memory_space<vmem>>, vector<16xi32>,
      tpu.vector_store %arg5[%swap3A_145], %add3A_144 {strides = array<i32>} : memref<1280xi32, #tpu.memory_space<vmem>>, vector<16xi32>,
      %get3A_147 = arith.constant 80 : index
      %get3A_148 = tpu.vector_load %arg4[%get3A_147] {strides = array<i32>} : memref<320xi32, #tpu.memory_space<vmem>>, vector<16xi32>,
      %max3A_149 = arith.constant 0 : i32
      %max3A_150 = vector.broadcast %max3A_149 : i32 to vector<16xi32>
      %max3A_151 = arith.maxsi %get3A_148, %max3A_150 : vector<16xi32>
      %min3A_152 = arith.constant 19999 : i32
      %min3A_153 = vector.broadcast %min3A_152 : i32 to vector<16xi32>
      %min3A_154 = arith.minsi %max3A_151, %min3A_153 : vector<16xi32>
      %add3A_155 = arith.constant 15000 : i32
      %add3A_156 = vector.broadcast %add3A_155 : i32 to vector<16xi32>
      %add3A_157 = arith.addi %min3A_154, %add3A_156 : vector<16xi32>
      %swap3A_158 = arith.constant 80 : index
      %swap3A_159 = tpu.vector_load %arg5[%swap3A_158] {strides = array<i32>} : memref<1280xi32, #tpu.memory_space<vmem>>, vector<16xi32>,
      tpu.vector_store %arg5[%swap3A_158], %add3A_157 {strides = array<i32>} : memref<1280xi32, #tpu.memory_space<vmem>>, vector<16xi32>,
      %add3A_160 = arith.constant 35000 : i32
      %add3A_161 = vector.broadcast %add3A_160 : i32 to vector<16xi32>
      %add3A_162 = arith.addi %min3A_154, %add3A_161 : vector<16xi32>
      %swap3A_163 = arith.constant 288 : index
      %swap3A_164 = tpu.vector_load %arg5[%swap3A_163] {strides = array<i32>} : memref<1280xi32, #tpu.memory_space<vmem>>, vector<16xi32>,
      tpu.vector_store %arg5[%swap3A_163], %add3A_162 {strides = array<i32>} : memref<1280xi32, #tpu.memory_space<vmem>>, vector<16xi32>,
      %add3A_165 = arith.constant 55000 : i32
      %add3A_166 = vector.broadcast %add3A_165 : i32 to vector<16xi32>
      %add3A_167 = arith.addi %min3A_154, %add3A_166 : vector<16xi32>
      %swap3A_168 = arith.constant 496 : index
      %swap3A_169 = tpu.vector_load %arg5[%swap3A_168] {strides = array<i32>} : memref<1280xi32, #tpu.memory_space<vmem>>, vector<16xi32>,
      tpu.vector_store %arg5[%swap3A_168], %add3A_167 {strides = array<i32>} : memref<1280xi32, #tpu.memory_space<vmem>>, vector<16xi32>,
      %add3A_170 = arith.constant 75000 : i32
      %add3A_171 = vector.broadcast %add3A_170 : i32 to vector<16xi32>
      %add3A_172 = arith.addi %min3A_154, %add3A_171 : vector<16xi32>
      %swap3A_173 = arith.constant 704 : index
      %swap3A_174 = tpu.vector_load %arg5[%swap3A_173] {strides = array<i32>} : memref<1280xi32, #tpu.memory_space<vmem>>, vector<16xi32>,
      tpu.vector_store %arg5[%swap3A_173], %add3A_172 {strides = array<i32>} : memref<1280xi32, #tpu.memory_space<vmem>>, vector<16xi32>,
      %get3A_175 = arith.constant 96 : index
      %get3A_176 = tpu.vector_load %arg4[%get3A_175] {strides = array<i32>} : memref<320xi32, #tpu.memory_space<vmem>>, vector<16xi32>,
      %max3A_177 = arith.constant 0 : i32
      %max3A_178 = vector.broadcast %max3A_177 : i32 to vector<16xi32>
      %max3A_179 = arith.maxsi %get3A_176, %max3A_178 : vector<16xi32>
      %min3A_180 = arith.constant 19999 : i32
      %min3A_181 = vector.broadcast %min3A_180 : i32 to vector<16xi32>
      %min3A_182 = arith.minsi %max3A_179, %min3A_181 : vector<16xi32>
      %add3A_183 = arith.constant 15000 : i32
      %add3A_184 = vector.broadcast %add3A_183 : i32 to vector<16xi32>
      %add3A_185 = arith.addi %min3A_182, %add3A_184 : vector<16xi32>
      %swap3A_186 = arith.constant 96 : index
      %swap3A_187 = tpu.vector_load %arg5[%swap3A_186] {strides = array<i32>} : memref<1280xi32, #tpu.memory_space<vmem>>, vector<16xi32>,
      tpu.vector_store %arg5[%swap3A_186], %add3A_185 {strides = array<i32>} : memref<1280xi32, #tpu.memory_space<vmem>>, vector<16xi32>,
      %add3A_188 = arith.constant 35000 : i32
      %add3A_189 = vector.broadcast %add3A_188 : i32 to vector<16xi32>
      %add3A_190 = arith.addi %min3A_182, %add3A_189 : vector<16xi32>
      %swap3A_191 = arith.constant 304 : index
      %swap3A_192 = tpu.vector_load %arg5[%swap3A_191] {strides = array<i32>} : memref<1280xi32, #tpu.memory_space<vmem>>, vector<16xi32>,
      tpu.vector_store %arg5[%swap3A_191], %add3A_190 {strides = array<i32>} : memref<1280xi32, #tpu.memory_space<vmem>>, vector<16xi32>,
      %add3A_193 = arith.constant 55000 : i32
      %add3A_194 = vector.broadcast %add3A_193 : i32 to vector<16xi32>
      %add3A_195 = arith.addi %min3A_182, %add3A_194 : vector<16xi32>
      %swap3A_196 = arith.constant 512 : index
      %swap3A_197 = tpu.vector_load %arg5[%swap3A_196] {strides = array<i32>} : memref<1280xi32, #tpu.memory_space<vmem>>, vector<16xi32>,
      tpu.vector_store %arg5[%swap3A_196], %add3A_195 {strides = array<i32>} : memref<1280xi32, #tpu.memory_space<vmem>>, vector<16xi32>,
      %add3A_198 = arith.constant 75000 : i32
      %add3A_199 = vector.broadcast %add3A_198 : i32 to vector<16xi32>
      %add3A_200 = arith.addi %min3A_182, %add3A_199 : vector<16xi32>
      %swap3A_201 = arith.constant 720 : index
      %swap3A_202 = tpu.vector_load %arg5[%swap3A_201] {strides = array<i32>} : memref<1280xi32, #tpu.memory_space<vmem>>, vector<16xi32>,
      tpu.vector_store %arg5[%swap3A_201], %add3A_200 {strides = array<i32>} : memref<1280xi32, #tpu.memory_space<vmem>>, vector<16xi32>,
      %get3A_203 = arith.constant 112 : index
      %get3A_204 = tpu.vector_load %arg4[%get3A_203] {strides = array<i32>} : memref<320xi32, #tpu.memory_space<vmem>>, vector<16xi32>,
      %max3A_205 = arith.constant 0 : i32
      %max3A_206 = vector.broadcast %max3A_205 : i32 to vector<16xi32>
      %max3A_207 = arith.maxsi %get3A_204, %max3A_206 : vector<16xi32>
      %min3A_208 = arith.constant 19999 : i32
      %min3A_209 = vector.broadcast %min3A_208 : i32 to vector<16xi32>
      %min3A_210 = arith.minsi %max3A_207, %min3A_209 : vector<16xi32>
      %add3A_211 = arith.constant 15000 : i32
      %add3A_212 = vector.broadcast %add3A_211 : i32 to vector<16xi32>
      %add3A_213 = arith.addi %min3A_210, %add3A_212 : vector<16xi32>
      %swap3A_214 = arith.constant 112 : index
      %swap3A_215 = tpu.vector_load %arg5[%swap3A_214] {strides = array<i32>} : memref<1280xi32, #tpu.memory_space<vmem>>, vector<16xi32>,
      tpu.vector_store %arg5[%swap3A_214], %add3A_213 {strides = array<i32>} : memref<1280xi32, #tpu.memory_space<vmem>>, vector<16xi32>,
      %add3A_216 = arith.constant 35000 : i32
      %add3A_217 = vector.broadcast %add3A_216 : i32 to vector<16xi32>
      %add3A_218 = arith.addi %min3A_210, %add3A_217 : vector<16xi32>
      %swap3A_219 = arith.constant 320 : index
      %swap3A_220 = tpu.vector_load %arg5[%swap3A_219] {strides = array<i32>} : memref<1280xi32, #tpu.memory_space<vmem>>, vector<16xi32>,
      tpu.vector_store %arg5[%swap3A_219], %add3A_218 {strides = array<i32>} : memref<1280xi32, #tpu.memory_space<vmem>>, vector<16xi32>,
      %add3A_221 = arith.constant 55000 : i32
      %add3A_222 = vector.broadcast %add3A_221 : i32 to vector<16xi32>
      %add3A_223 = arith.addi %min3A_210, %add3A_222 : vector<16xi32>
      %swap3A_224 = arith.constant 528 : index
      %swap3A_225 = tpu.vector_load %arg5[%swap3A_224] {strides = array<i32>} : memref<1280xi32, #tpu.memory_space<vmem>>, vector<16xi32>,
      tpu.vector_store %arg5[%swap3A_224], %add3A_223 {strides = array<i32>} : memref<1280xi32, #tpu.memory_space<vmem>>, vector<16xi32>,
      %add3A_226 = arith.constant 75000 : i32
      %add3A_227 = vector.broadcast %add3A_226 : i32 to vector<16xi32>
      %add3A_228 = arith.addi %min3A_210, %add3A_227 : vector<16xi32>
      %swap3A_229 = arith.constant 736 : index
      %swap3A_230 = tpu.vector_load %arg5[%swap3A_229] {strides = array<i32>} : memref<1280xi32, #tpu.memory_space<vmem>>, vector<16xi32>,
      tpu.vector_store %arg5[%swap3A_229], %add3A_228 {strides = array<i32>} : memref<1280xi32, #tpu.memory_space<vmem>>, vector<16xi32>,
      %get3A_231 = arith.constant 128 : index
      %get3A_232 = tpu.vector_load %arg4[%get3A_231] {strides = array<i32>} : memref<320xi32, #tpu.memory_space<vmem>>, vector<16xi32>,
      %max3A_233 = arith.constant 0 : i32
      %max3A_234 = vector.broadcast %max3A_233 : i32 to vector<16xi32>
      %max3A_235 = arith.maxsi %get3A_232, %max3A_234 : vector<16xi32>
      %min3A_236 = arith.constant 19999 : i32
      %min3A_237 = vector.broadcast %min3A_236 : i32 to vector<16xi32>
      %min3A_238 = arith.minsi %max3A_235, %min3A_237 : vector<16xi32>
      %add3A_239 = arith.constant 15000 : i32
      %add3A_240 = vector.broadcast %add3A_239 : i32 to vector<16xi32>
      %add3A_241 = arith.addi %min3A_238, %add3A_240 : vector<16xi32>
      %swap3A_242 = arith.constant 128 : index
      %swap3A_243 = tpu.vector_load %arg5[%swap3A_242] {strides = array<i32>} : memref<1280xi32, #tpu.memory_space<vmem>>, vector<16xi32>,
      tpu.vector_store %arg5[%swap3A_242], %add3A_241 {strides = array<i32>} : memref<1280xi32, #tpu.memory_space<vmem>>, vector<16xi32>,
      %add3A_244 = arith.constant 35000 : i32
      %add3A_245 = vector.broadcast %add3A_244 : i32 to vector<16xi32>
      %add3A_246 = arith.addi %min3A_238, %add3A_245 : vector<16xi32>
      %swap3A_247 = arith.constant 336 : index
      %swap3A_248 = tpu.vector_load %arg5[%swap3A_247] {strides = array<i32>} : memref<1280xi32, #tpu.memory_space<vmem>>, vector<16xi32>,
      tpu.vector_store %arg5[%swap3A_247], %add3A_246 {strides = array<i32>} : memref<1280xi32, #tpu.memory_space<vmem>>, vector<16xi32>,
      %add3A_249 = arith.constant 55000 : i32
      %add3A_250 = vector.broadcast %add3A_249 : i32 to vector<16xi32>
      %add3A_251 = arith.addi %min3A_238, %add3A_250 : vector<16xi32>
      %swap3A_252 = arith.constant 544 : index
      %swap3A_253 = tpu.vector_load %arg5[%swap3A_252] {strides = array<i32>} : memref<1280xi32, #tpu.memory_space<vmem>>, vector<16xi32>,
      tpu.vector_store %arg5[%swap3A_252], %add3A_251 {strides = array<i32>} : memref<1280xi32, #tpu.memory_space<vmem>>, vector<16xi32>,
      %add3A_254 = arith.constant 75000 : i32
      %add3A_255 = vector.broadcast %add3A_254 : i32 to vector<16xi32>
      %add3A_256 = arith.addi %min3A_238, %add3A_255 : vector<16xi32>
      %swap3A_257 = arith.constant 752 : index
      %swap3A_258 = tpu.vector_load %arg5[%swap3A_257] {strides = array<i32>} : memref<1280xi32, #tpu.memory_space<vmem>>, vector<16xi32>,
      tpu.vector_store %arg5[%swap3A_257], %add3A_256 {strides = array<i32>} : memref<1280xi32, #tpu.memory_space<vmem>>, vector<16xi32>,
      %get3A_259 = arith.constant 144 : index
      %get3A_260 = tpu.vector_load %arg4[%get3A_259] {strides = array<i32>} : memref<320xi32, #tpu.memory_space<vmem>>, vector<16xi32>,
      %max3A_261 = arith.constant 0 : i32
      %max3A_262 = vector.broadcast %max3A_261 : i32 to vector<16xi32>
      %max3A_263 = arith.maxsi %get3A_260, %max3A_262 : vector<16xi32>
      %min3A_264 = arith.constant 19999 : i32
      %min3A_265 = vector.broadcast %min3A_264 : i32 to vector<16xi32>
      %min3A_266 = arith.minsi %max3A_263, %min3A_265 : vector<16xi32>
      %add3A_267 = arith.constant 15000 : i32
      %add3A_268 = vector.broadcast %add3A_267 : i32 to vector<16xi32>
      %add3A_269 = arith.addi %min3A_266, %add3A_268 : vector<16xi32>
      %swap3A_270 = arith.constant 144 : index
      %swap3A_271 = tpu.vector_load %arg5[%swap3A_270] {strides = array<i32>} : memref<1280xi32, #tpu.memory_space<vmem>>, vector<16xi32>,
      tpu.vector_store %arg5[%swap3A_270], %add3A_269 {strides = array<i32>} : memref<1280xi32, #tpu.memory_space<vmem>>, vector<16xi32>,
      %add3A_272 = arith.constant 35000 : i32
      %add3A_273 = vector.broadcast %add3A_272 : i32 to vector<16xi32>
      %add3A_274 = arith.addi %min3A_266, %add3A_273 : vector<16xi32>
      %swap3A_275 = arith.constant 352 : index
      %swap3A_276 = tpu.vector_load %arg5[%swap3A_275] {strides = array<i32>} : memref<1280xi32, #tpu.memory_space<vmem>>, vector<16xi32>,
      tpu.vector_store %arg5[%swap3A_275], %add3A_274 {strides = array<i32>} : memref<1280xi32, #tpu.memory_space<vmem>>, vector<16xi32>,
      %add3A_277 = arith.constant 55000 : i32
      %add3A_278 = vector.broadcast %add3A_277 : i32 to vector<16xi32>
      %add3A_279 = arith.addi %min3A_266, %add3A_278 : vector<16xi32>
      %swap3A_280 = arith.constant 560 : index
      %swap3A_281 = tpu.vector_load %arg5[%swap3A_280] {strides = array<i32>} : memref<1280xi32, #tpu.memory_space<vmem>>, vector<16xi32>,
      tpu.vector_store %arg5[%swap3A_280], %add3A_279 {strides = array<i32>} : memref<1280xi32, #tpu.memory_space<vmem>>, vector<16xi32>,
      %add3A_282 = arith.constant 75000 : i32
      %add3A_283 = vector.broadcast %add3A_282 : i32 to vector<16xi32>
      %add3A_284 = arith.addi %min3A_266, %add3A_283 : vector<16xi32>
      %swap3A_285 = arith.constant 768 : index
      %swap3A_286 = tpu.vector_load %arg5[%swap3A_285] {strides = array<i32>} : memref<1280xi32, #tpu.memory_space<vmem>>, vector<16xi32>,
      tpu.vector_store %arg5[%swap3A_285], %add3A_284 {strides = array<i32>} : memref<1280xi32, #tpu.memory_space<vmem>>, vector<16xi32>,
      %get3A_287 = arith.constant 160 : index
      %get3A_288 = tpu.vector_load %arg4[%get3A_287] {strides = array<i32>} : memref<320xi32, #tpu.memory_space<vmem>>, vector<16xi32>,
      %max3A_289 = arith.constant 0 : i32
      %max3A_290 = vector.broadcast %max3A_289 : i32 to vector<16xi32>
      %max3A_291 = arith.maxsi %get3A_288, %max3A_290 : vector<16xi32>
      %min3A_292 = arith.constant 19999 : i32
      %min3A_293 = vector.broadcast %min3A_292 : i32 to vector<16xi32>
      %min3A_294 = arith.minsi %max3A_291, %min3A_293 : vector<16xi32>
      %add3A_295 = arith.constant 15000 : i32
      %add3A_296 = vector.broadcast %add3A_295 : i32 to vector<16xi32>
      %add3A_297 = arith.addi %min3A_294, %add3A_296 : vector<16xi32>
      %swap3A_298 = arith.constant 160 : index
      %swap3A_299 = tpu.vector_load %arg5[%swap3A_298] {strides = array<i32>} : memref<1280xi32, #tpu.memory_space<vmem>>, vector<16xi32>,
      tpu.vector_store %arg5[%swap3A_298], %add3A_297 {strides = array<i32>} : memref<1280xi32, #tpu.memory_space<vmem>>, vector<16xi32>,
      %add3A_300 = arith.constant 35000 : i32
      %add3A_301 = vector.broadcast %add3A_300 : i32 to vector<16xi32>
      %add3A_302 = arith.addi %min3A_294, %add3A_301 : vector<16xi32>
      %swap3A_303 = arith.constant 368 : index
      %swap3A_304 = tpu.vector_load %arg5[%swap3A_303] {strides = array<i32>} : memref<1280xi32, #tpu.memory_space<vmem>>, vector<16xi32>,
      tpu.vector_store %arg5[%swap3A_303], %add3A_302 {strides = array<i32>} : memref<1280xi32, #tpu.memory_space<vmem>>, vector<16xi32>,
      %add3A_305 = arith.constant 55000 : i32
      %add3A_306 = vector.broadcast %add3A_305 : i32 to vector<16xi32>
      %add3A_307 = arith.addi %min3A_294, %add3A_306 : vector<16xi32>
      %swap3A_308 = arith.constant 576 : index
      %swap3A_309 = tpu.vector_load %arg5[%swap3A_308] {strides = array<i32>} : memref<1280xi32, #tpu.memory_space<vmem>>, vector<16xi32>,
      tpu.vector_store %arg5[%swap3A_308], %add3A_307 {strides = array<i32>} : memref<1280xi32, #tpu.memory_space<vmem>>, vector<16xi32>,
      %add3A_310 = arith.constant 75000 : i32
      %add3A_311 = vector.broadcast %add3A_310 : i32 to vector<16xi32>
      %add3A_312 = arith.addi %min3A_294, %add3A_311 : vector<16xi32>
      %swap3A_313 = arith.constant 784 : index
      %swap3A_314 = tpu.vector_load %arg5[%swap3A_313] {strides = array<i32>} : memref<1280xi32, #tpu.memory_space<vmem>>, vector<16xi32>,
      tpu.vector_store %arg5[%swap3A_313], %add3A_312 {strides = array<i32>} : memref<1280xi32, #tpu.memory_space<vmem>>, vector<16xi32>,
      %get3A_315 = arith.constant 176 : index
      %get3A_316 = tpu.vector_load %arg4[%get3A_315] {strides = array<i32>} : memref<320xi32, #tpu.memory_space<vmem>>, vector<16xi32>,
      %max3A_317 = arith.constant 0 : i32
      %max3A_318 = vector.broadcast %max3A_317 : i32 to vector<16xi32>
      %max3A_319 = arith.maxsi %get3A_316, %max3A_318 : vector<16xi32>
      %min3A_320 = arith.constant 19999 : i32
      %min3A_321 = vector.broadcast %min3A_320 : i32 to vector<16xi32>
      %min3A_322 = arith.minsi %max3A_319, %min3A_321 : vector<16xi32>
      %add3A_323 = arith.constant 15000 : i32
      %add3A_324 = vector.broadcast %add3A_323 : i32 to vector<16xi32>
      %add3A_325 = arith.addi %min3A_322, %add3A_324 : vector<16xi32>
      %swap3A_326 = arith.constant 176 : index
      %swap3A_327 = tpu.vector_load %arg5[%swap3A_326] {strides = array<i32>} : memref<1280xi32, #tpu.memory_space<vmem>>, vector<16xi32>,
      tpu.vector_store %arg5[%swap3A_326], %add3A_325 {strides = array<i32>} : memref<1280xi32, #tpu.memory_space<vmem>>, vector<16xi32>,
      %add3A_328 = arith.constant 35000 : i32
      %add3A_329 = vector.broadcast %add3A_328 : i32 to vector<16xi32>
      %add3A_330 = arith.addi %min3A_322, %add3A_329 : vector<16xi32>
      %swap3A_331 = arith.constant 384 : index
      %swap3A_332 = tpu.vector_load %arg5[%swap3A_331] {strides = array<i32>} : memref<1280xi32, #tpu.memory_space<vmem>>, vector<16xi32>,
      tpu.vector_store %arg5[%swap3A_331], %add3A_330 {strides = array<i32>} : memref<1280xi32, #tpu.memory_space<vmem>>, vector<16xi32>,
      %add3A_333 = arith.constant 55000 : i32
      %add3A_334 = vector.broadcast %add3A_333 : i32 to vector<16xi32>
      %add3A_335 = arith.addi %min3A_322, %add3A_334 : vector<16xi32>
      %swap3A_336 = arith.constant 592 : index
      %swap3A_337 = tpu.vector_load %arg5[%swap3A_336] {strides = array<i32>} : memref<1280xi32, #tpu.memory_space<vmem>>, vector<16xi32>,
      tpu.vector_store %arg5[%swap3A_336], %add3A_335 {strides = array<i32>} : memref<1280xi32, #tpu.memory_space<vmem>>, vector<16xi32>,
      %add3A_338 = arith.constant 75000 : i32
      %add3A_339 = vector.broadcast %add3A_338 : i32 to vector<16xi32>
      %add3A_340 = arith.addi %min3A_322, %add3A_339 : vector<16xi32>
      %swap3A_341 = arith.constant 800 : index
      %swap3A_342 = tpu.vector_load %arg5[%swap3A_341] {strides = array<i32>} : memref<1280xi32, #tpu.memory_space<vmem>>, vector<16xi32>,
      tpu.vector_store %arg5[%swap3A_341], %add3A_340 {strides = array<i32>} : memref<1280xi32, #tpu.memory_space<vmem>>, vector<16xi32>,
      %get3A_343 = arith.constant 192 : index
      %get3A_344 = tpu.vector_load %arg4[%get3A_343] {strides = array<i32>} : memref<320xi32, #tpu.memory_space<vmem>>, vector<16xi32>,
      %max3A_345 = arith.constant 0 : i32
      %max3A_346 = vector.broadcast %max3A_345 : i32 to vector<16xi32>
      %max3A_347 = arith.maxsi %get3A_344, %max3A_346 : vector<16xi32>
      %min3A_348 = arith.constant 19999 : i32
      %min3A_349 = vector.broadcast %min3A_348 : i32 to vector<16xi32>
      %min3A_350 = arith.minsi %max3A_347, %min3A_349 : vector<16xi32>
      %add3A_351 = arith.constant 15000 : i32
      %add3A_352 = vector.broadcast %add3A_351 : i32 to vector<16xi32>
      %add3A_353 = arith.addi %min3A_350, %add3A_352 : vector<16xi32>
      %swap3A_354 = arith.constant 192 : index
      %swap3A_355 = tpu.vector_load %arg5[%swap3A_354] {strides = array<i32>} : memref<1280xi32, #tpu.memory_space<vmem>>, vector<16xi32>,
      tpu.vector_store %arg5[%swap3A_354], %add3A_353 {strides = array<i32>} : memref<1280xi32, #tpu.memory_space<vmem>>, vector<16xi32>,
      %add3A_356 = arith.constant 35000 : i32
      %add3A_357 = vector.broadcast %add3A_356 : i32 to vector<16xi32>
      %add3A_358 = arith.addi %min3A_350, %add3A_357 : vector<16xi32>
      %swap3A_359 = arith.constant 400 : index
      %swap3A_360 = tpu.vector_load %arg5[%swap3A_359] {strides = array<i32>} : memref<1280xi32, #tpu.memory_space<vmem>>, vector<16xi32>,
      tpu.vector_store %arg5[%swap3A_359], %add3A_358 {strides = array<i32>} : memref<1280xi32, #tpu.memory_space<vmem>>, vector<16xi32>,
      %add3A_361 = arith.constant 55000 : i32
      %add3A_362 = vector.broadcast %add3A_361 : i32 to vector<16xi32>
      %add3A_363 = arith.addi %min3A_350, %add3A_362 : vector<16xi32>
      %swap3A_364 = arith.constant 608 : index
      %swap3A_365 = tpu.vector_load %arg5[%swap3A_364] {strides = array<i32>} : memref<1280xi32, #tpu.memory_space<vmem>>, vector<16xi32>,
      tpu.vector_store %arg5[%swap3A_364], %add3A_363 {strides = array<i32>} : memref<1280xi32, #tpu.memory_space<vmem>>, vector<16xi32>,
      %add3A_366 = arith.constant 75000 : i32
      %add3A_367 = vector.broadcast %add3A_366 : i32 to vector<16xi32>
      %add3A_368 = arith.addi %min3A_350, %add3A_367 : vector<16xi32>
      %swap3A_369 = arith.constant 816 : index
      %swap3A_370 = tpu.vector_load %arg5[%swap3A_369] {strides = array<i32>} : memref<1280xi32, #tpu.memory_space<vmem>>, vector<16xi32>,
      tpu.vector_store %arg5[%swap3A_369], %add3A_368 {strides = array<i32>} : memref<1280xi32, #tpu.memory_space<vmem>>, vector<16xi32>,
      %dma_start3A = arith.constant 0 : i32
      %dma_start3A_371 = tpu.memref_slice %arg6[%dma_start3A] : memref<1280xi32, #tpu.memory_space<vmem>> -> memref<64xi32, #tpu.memory_space<vmem>>
      %dma_start3A_372 = arith.constant 0 : i32
      %dma_start3A_373 = tpu.memref_slice %arg5[%dma_start3A_372] : memref<1280xi32, #tpu.memory_space<vmem>> -> memref<64xi32, #tpu.memory_space<vmem>>
      %dma_start3A_374 = arith.constant 0 : i32
      %dma_start3A_375 = tpu.memref_slice %arg2[%dma_start3A_374] : memref<95000xi32, #tpu.memory_space<hbm>> -> memref<95000xi32, #tpu.memory_space<hbm>>
      tpu.enqueue_indirect_dma source(%dma_start3A_375 : memref<95000xi32, #tpu.memory_space<hbm>>) target(%dma_start3A_371 : memref<64xi32, #tpu.memory_space<vmem>>) offsets(%dma_start3A_373 : memref<64xi32, #tpu.memory_space<vmem>>) semaphore(%arg7 : memref<!tpu.dma_semaphore, #tpu.memory_space<semaphore_mem>>)
      %dma_start3A_376 = arith.constant 64 : i32
      %dma_start3A_377 = tpu.memref_slice %arg6[%dma_start3A_376] : memref<1280xi32, #tpu.memory_space<vmem>> -> memref<64xi32, #tpu.memory_space<vmem>>
      %dma_start3A_378 = arith.constant 64 : i32
      %dma_start3A_379 = tpu.memref_slice %arg5[%dma_start3A_378] : memref<1280xi32, #tpu.memory_space<vmem>> -> memref<64xi32, #tpu.memory_space<vmem>>
      %dma_start3A_380 = arith.constant 0 : i32
      %dma_start3A_381 = tpu.memref_slice %arg2[%dma_start3A_380] : memref<95000xi32, #tpu.memory_space<hbm>> -> memref<95000xi32, #tpu.memory_space<hbm>>
      tpu.enqueue_indirect_dma source(%dma_start3A_381 : memref<95000xi32, #tpu.memory_space<hbm>>) target(%dma_start3A_377 : memref<64xi32, #tpu.memory_space<vmem>>) offsets(%dma_start3A_379 : memref<64xi32, #tpu.memory_space<vmem>>) semaphore(%arg7 : memref<!tpu.dma_semaphore, #tpu.memory_space<semaphore_mem>>)
      %dma_start3A_382 = arith.constant 128 : i32
      %dma_start3A_383 = tpu.memref_slice %arg6[%dma_start3A_382] : memref<1280xi32, #tpu.memory_space<vmem>> -> memref<64xi32, #tpu.memory_space<vmem>>
      %dma_start3A_384 = arith.constant 128 : i32
      %dma_start3A_385 = tpu.memref_slice %arg5[%dma_start3A_384] : memref<1280xi32, #tpu.memory_space<vmem>> -> memref<64xi32, #tpu.memory_space<vmem>>
      %dma_start3A_386 = arith.constant 0 : i32
      %dma_start3A_387 = tpu.memref_slice %arg2[%dma_start3A_386] : memref<95000xi32, #tpu.memory_space<hbm>> -> memref<95000xi32, #tpu.memory_space<hbm>>
      tpu.enqueue_indirect_dma source(%dma_start3A_387 : memref<95000xi32, #tpu.memory_space<hbm>>) target(%dma_start3A_383 : memref<64xi32, #tpu.memory_space<vmem>>) offsets(%dma_start3A_385 : memref<64xi32, #tpu.memory_space<vmem>>) semaphore(%arg7 : memref<!tpu.dma_semaphore, #tpu.memory_space<semaphore_mem>>)
      %dma_start3A_388 = arith.constant 192 : i32
      %dma_start3A_389 = tpu.memref_slice %arg6[%dma_start3A_388] : memref<1280xi32, #tpu.memory_space<vmem>> -> memref<64xi32, #tpu.memory_space<vmem>>
      %dma_start3A_390 = arith.constant 192 : i32
      %dma_start3A_391 = tpu.memref_slice %arg5[%dma_start3A_390] : memref<1280xi32, #tpu.memory_space<vmem>> -> memref<64xi32, #tpu.memory_space<vmem>>
      %dma_start3A_392 = arith.constant 0 : i32
      %dma_start3A_393 = tpu.memref_slice %arg2[%dma_start3A_392] : memref<95000xi32, #tpu.memory_space<hbm>> -> memref<95000xi32, #tpu.memory_space<hbm>>
      tpu.enqueue_indirect_dma source(%dma_start3A_393 : memref<95000xi32, #tpu.memory_space<hbm>>) target(%dma_start3A_389 : memref<64xi32, #tpu.memory_space<vmem>>) offsets(%dma_start3A_391 : memref<64xi32, #tpu.memory_space<vmem>>) semaphore(%arg7 : memref<!tpu.dma_semaphore, #tpu.memory_space<semaphore_mem>>)
      %dma_start3A_394 = arith.constant 256 : i32
      %dma_start3A_395 = tpu.memref_slice %arg6[%dma_start3A_394] : memref<1280xi32, #tpu.memory_space<vmem>> -> memref<64xi32, #tpu.memory_space<vmem>>
      %dma_start3A_396 = arith.constant 256 : i32
      %dma_start3A_397 = tpu.memref_slice %arg5[%dma_start3A_396] : memref<1280xi32, #tpu.memory_space<vmem>> -> memref<64xi32, #tpu.memory_space<vmem>>
      %dma_start3A_398 = arith.constant 0 : i32
      %dma_start3A_399 = tpu.memref_slice %arg2[%dma_start3A_398] : memref<95000xi32, #tpu.memory_space<hbm>> -> memref<95000xi32, #tpu.memory_space<hbm>>
      tpu.enqueue_indirect_dma source(%dma_start3A_399 : memref<95000xi32, #tpu.memory_space<hbm>>) target(%dma_start3A_395 : memref<64xi32, #tpu.memory_space<vmem>>) offsets(%dma_start3A_397 : memref<64xi32, #tpu.memory_space<vmem>>) semaphore(%arg7 : memref<!tpu.dma_semaphore, #tpu.memory_space<semaphore_mem>>)
      %dma_start3A_400 = arith.constant 320 : i32
      %dma_start3A_401 = tpu.memref_slice %arg6[%dma_start3A_400] : memref<1280xi32, #tpu.memory_space<vmem>> -> memref<64xi32, #tpu.memory_space<vmem>>
      %dma_start3A_402 = arith.constant 320 : i32
      %dma_start3A_403 = tpu.memref_slice %arg5[%dma_start3A_402] : memref<1280xi32, #tpu.memory_space<vmem>> -> memref<64xi32, #tpu.memory_space<vmem>>
      %dma_start3A_404 = arith.constant 0 : i32
      %dma_start3A_405 = tpu.memref_slice %arg2[%dma_start3A_404] : memref<95000xi32, #tpu.memory_space<hbm>> -> memref<95000xi32, #tpu.memory_space<hbm>>
      tpu.enqueue_indirect_dma source(%dma_start3A_405 : memref<95000xi32, #tpu.memory_space<hbm>>) target(%dma_start3A_401 : memref<64xi32, #tpu.memory_space<vmem>>) offsets(%dma_start3A_403 : memref<64xi32, #tpu.memory_space<vmem>>) semaphore(%arg7 : memref<!tpu.dma_semaphore, #tpu.memory_space<semaphore_mem>>)
      %dma_start3A_406 = arith.constant 384 : i32
      %dma_start3A_407 = tpu.memref_slice %arg6[%dma_start3A_406] : memref<1280xi32, #tpu.memory_space<vmem>> -> memref<64xi32, #tpu.memory_space<vmem>>
      %dma_start3A_408 = arith.constant 384 : i32
      %dma_start3A_409 = tpu.memref_slice %arg5[%dma_start3A_408] : memref<1280xi32, #tpu.memory_space<vmem>> -> memref<64xi32, #tpu.memory_space<vmem>>
      %dma_start3A_410 = arith.constant 0 : i32
      %dma_start3A_411 = tpu.memref_slice %arg2[%dma_start3A_410] : memref<95000xi32, #tpu.memory_space<hbm>> -> memref<95000xi32, #tpu.memory_space<hbm>>
      tpu.enqueue_indirect_dma source(%dma_start3A_411 : memref<95000xi32, #tpu.memory_space<hbm>>) target(%dma_start3A_407 : memref<64xi32, #tpu.memory_space<vmem>>) offsets(%dma_start3A_409 : memref<64xi32, #tpu.memory_space<vmem>>) semaphore(%arg7 : memref<!tpu.dma_semaphore, #tpu.memory_space<semaphore_mem>>)
      %dma_start3A_412 = arith.constant 448 : i32
      %dma_start3A_413 = tpu.memref_slice %arg6[%dma_start3A_412] : memref<1280xi32, #tpu.memory_space<vmem>> -> memref<64xi32, #tpu.memory_space<vmem>>
      %dma_start3A_414 = arith.constant 448 : i32
      %dma_start3A_415 = tpu.memref_slice %arg5[%dma_start3A_414] : memref<1280xi32, #tpu.memory_space<vmem>> -> memref<64xi32, #tpu.memory_space<vmem>>
      %dma_start3A_416 = arith.constant 0 : i32
      %dma_start3A_417 = tpu.memref_slice %arg2[%dma_start3A_416] : memref<95000xi32, #tpu.memory_space<hbm>> -> memref<95000xi32, #tpu.memory_space<hbm>>
      tpu.enqueue_indirect_dma source(%dma_start3A_417 : memref<95000xi32, #tpu.memory_space<hbm>>) target(%dma_start3A_413 : memref<64xi32, #tpu.memory_space<vmem>>) offsets(%dma_start3A_415 : memref<64xi32, #tpu.memory_space<vmem>>) semaphore(%arg7 : memref<!tpu.dma_semaphore, #tpu.memory_space<semaphore_mem>>)
      %dma_start3A_418 = arith.constant 512 : i32
      %dma_start3A_419 = tpu.memref_slice %arg6[%dma_start3A_418] : memref<1280xi32, #tpu.memory_space<vmem>> -> memref<64xi32, #tpu.memory_space<vmem>>
      %dma_start3A_420 = arith.constant 512 : i32
      %dma_start3A_421 = tpu.memref_slice %arg5[%dma_start3A_420] : memref<1280xi32, #tpu.memory_space<vmem>> -> memref<64xi32, #tpu.memory_space<vmem>>
      %dma_start3A_422 = arith.constant 0 : i32
      %dma_start3A_423 = tpu.memref_slice %arg2[%dma_start3A_422] : memref<95000xi32, #tpu.memory_space<hbm>> -> memref<95000xi32, #tpu.memory_space<hbm>>
      tpu.enqueue_indirect_dma source(%dma_start3A_423 : memref<95000xi32, #tpu.memory_space<hbm>>) target(%dma_start3A_419 : memref<64xi32, #tpu.memory_space<vmem>>) offsets(%dma_start3A_421 : memref<64xi32, #tpu.memory_space<vmem>>) semaphore(%arg7 : memref<!tpu.dma_semaphore, #tpu.memory_space<semaphore_mem>>)
      %dma_start3A_424 = arith.constant 576 : i32
      %dma_start3A_425 = tpu.memref_slice %arg6[%dma_start3A_424] : memref<1280xi32, #tpu.memory_space<vmem>> -> memref<64xi32, #tpu.memory_space<vmem>>
      %dma_start3A_426 = arith.constant 576 : i32
      %dma_start3A_427 = tpu.memref_slice %arg5[%dma_start3A_426] : memref<1280xi32, #tpu.memory_space<vmem>> -> memref<64xi32, #tpu.memory_space<vmem>>
      %dma_start3A_428 = arith.constant 0 : i32
      %dma_start3A_429 = tpu.memref_slice %arg2[%dma_start3A_428] : memref<95000xi32, #tpu.memory_space<hbm>> -> memref<95000xi32, #tpu.memory_space<hbm>>
      tpu.enqueue_indirect_dma source(%dma_start3A_429 : memref<95000xi32, #tpu.memory_space<hbm>>) target(%dma_start3A_425 : memref<64xi32, #tpu.memory_space<vmem>>) offsets(%dma_start3A_427 : memref<64xi32, #tpu.memory_space<vmem>>) semaphore(%arg7 : memref<!tpu.dma_semaphore, #tpu.memory_space<semaphore_mem>>)
      %dma_start3A_430 = arith.constant 640 : i32
      %dma_start3A_431 = tpu.memref_slice %arg6[%dma_start3A_430] : memref<1280xi32, #tpu.memory_space<vmem>> -> memref<64xi32, #tpu.memory_space<vmem>>
      %dma_start3A_432 = arith.constant 640 : i32
      %dma_start3A_433 = tpu.memref_slice %arg5[%dma_start3A_432] : memref<1280xi32, #tpu.memory_space<vmem>> -> memref<64xi32, #tpu.memory_space<vmem>>
      %dma_start3A_434 = arith.constant 0 : i32
      %dma_start3A_435 = tpu.memref_slice %arg2[%dma_start3A_434] : memref<95000xi32, #tpu.memory_space<hbm>> -> memref<95000xi32, #tpu.memory_space<hbm>>
      tpu.enqueue_indirect_dma source(%dma_start3A_435 : memref<95000xi32, #tpu.memory_space<hbm>>) target(%dma_start3A_431 : memref<64xi32, #tpu.memory_space<vmem>>) offsets(%dma_start3A_433 : memref<64xi32, #tpu.memory_space<vmem>>) semaphore(%arg7 : memref<!tpu.dma_semaphore, #tpu.memory_space<semaphore_mem>>)
      %dma_start3A_436 = arith.constant 704 : i32
      %dma_start3A_437 = tpu.memref_slice %arg6[%dma_start3A_436] : memref<1280xi32, #tpu.memory_space<vmem>> -> memref<64xi32, #tpu.memory_space<vmem>>
      %dma_start3A_438 = arith.constant 704 : i32
      %dma_start3A_439 = tpu.memref_slice %arg5[%dma_start3A_438] : memref<1280xi32, #tpu.memory_space<vmem>> -> memref<64xi32, #tpu.memory_space<vmem>>
      %dma_start3A_440 = arith.constant 0 : i32
      %dma_start3A_441 = tpu.memref_slice %arg2[%dma_start3A_440] : memref<95000xi32, #tpu.memory_space<hbm>> -> memref<95000xi32, #tpu.memory_space<hbm>>
      tpu.enqueue_indirect_dma source(%dma_start3A_441 : memref<95000xi32, #tpu.memory_space<hbm>>) target(%dma_start3A_437 : memref<64xi32, #tpu.memory_space<vmem>>) offsets(%dma_start3A_439 : memref<64xi32, #tpu.memory_space<vmem>>) semaphore(%arg7 : memref<!tpu.dma_semaphore, #tpu.memory_space<semaphore_mem>>)
      %dma_start3A_442 = arith.constant 768 : i32
      %dma_start3A_443 = tpu.memref_slice %arg6[%dma_start3A_442] : memref<1280xi32, #tpu.memory_space<vmem>> -> memref<64xi32, #tpu.memory_space<vmem>>
      %dma_start3A_444 = arith.constant 768 : i32
      %dma_start3A_445 = tpu.memref_slice %arg5[%dma_start3A_444] : memref<1280xi32, #tpu.memory_space<vmem>> -> memref<64xi32, #tpu.memory_space<vmem>>
      %dma_start3A_446 = arith.constant 0 : i32
      %dma_start3A_447 = tpu.memref_slice %arg2[%dma_start3A_446] : memref<95000xi32, #tpu.memory_space<hbm>> -> memref<95000xi32, #tpu.memory_space<hbm>>
      tpu.enqueue_indirect_dma source(%dma_start3A_447 : memref<95000xi32, #tpu.memory_space<hbm>>) target(%dma_start3A_443 : memref<64xi32, #tpu.memory_space<vmem>>) offsets(%dma_start3A_445 : memref<64xi32, #tpu.memory_space<vmem>>) semaphore(%arg7 : memref<!tpu.dma_semaphore, #tpu.memory_space<semaphore_mem>>)
      %dma_wait3A = arith.constant 0 : i32
      %dma_wait3A_448 = tpu.memref_slice %arg6[%dma_wait3A] : memref<1280xi32, #tpu.memory_space<vmem>> -> memref<64xi32, #tpu.memory_space<vmem>>
      %dma_wait3A_449 = arith.constant 0 : i32
      %dma_wait3A_450 = tpu.memref_slice %arg5[%dma_wait3A_449] : memref<1280xi32, #tpu.memory_space<vmem>> -> memref<64xi32, #tpu.memory_space<vmem>>
      %dma_wait3A_451 = arith.constant 0 : i32
      %dma_wait3A_452 = tpu.memref_slice %arg2[%dma_wait3A_451] : memref<95000xi32, #tpu.memory_space<hbm>> -> memref<95000xi32, #tpu.memory_space<hbm>>
      tpu.wait_indirect_dma semaphore(%arg7 : memref<!tpu.dma_semaphore, #tpu.memory_space<semaphore_mem>>) src(%dma_wait3A_452 : memref<95000xi32, #tpu.memory_space<hbm>>) dst(%dma_wait3A_448 : memref<64xi32, #tpu.memory_space<vmem>>)
      %dma_wait3A_453 = arith.constant 64 : i32
      %dma_wait3A_454 = tpu.memref_slice %arg6[%dma_wait3A_453] : memref<1280xi32, #tpu.memory_space<vmem>> -> memref<64xi32, #tpu.memory_space<vmem>>
      %dma_wait3A_455 = arith.constant 64 : i32
      %dma_wait3A_456 = tpu.memref_slice %arg5[%dma_wait3A_455] : memref<1280xi32, #tpu.memory_space<vmem>> -> memref<64xi32, #tpu.memory_space<vmem>>
      %dma_wait3A_457 = arith.constant 0 : i32
      %dma_wait3A_458 = tpu.memref_slice %arg2[%dma_wait3A_457] : memref<95000xi32, #tpu.memory_space<hbm>> -> memref<95000xi32, #tpu.memory_space<hbm>>
      tpu.wait_indirect_dma semaphore(%arg7 : memref<!tpu.dma_semaphore, #tpu.memory_space<semaphore_mem>>) src(%dma_wait3A_458 : memref<95000xi32, #tpu.memory_space<hbm>>) dst(%dma_wait3A_454 : memref<64xi32, #tpu.memory_space<vmem>>)
      %dma_wait3A_459 = arith.constant 128 : i32
      %dma_wait3A_460 = tpu.memref_slice %arg6[%dma_wait3A_459] : memref<1280xi32, #tpu.memory_space<vmem>> -> memref<64xi32, #tpu.memory_space<vmem>>
      %dma_wait3A_461 = arith.constant 128 : i32
      %dma_wait3A_462 = tpu.memref_slice %arg5[%dma_wait3A_461] : memref<1280xi32, #tpu.memory_space<vmem>> -> memref<64xi32, #tpu.memory_space<vmem>>
      %dma_wait3A_463 = arith.constant 0 : i32
      %dma_wait3A_464 = tpu.memref_slice %arg2[%dma_wait3A_463] : memref<95000xi32, #tpu.memory_space<hbm>> -> memref<95000xi32, #tpu.memory_space<hbm>>
      tpu.wait_indirect_dma semaphore(%arg7 : memref<!tpu.dma_semaphore, #tpu.memory_space<semaphore_mem>>) src(%dma_wait3A_464 : memref<95000xi32, #tpu.memory_space<hbm>>) dst(%dma_wait3A_460 : memref<64xi32, #tpu.memory_space<vmem>>)
      %dma_wait3A_465 = arith.constant 192 : i32
      %dma_wait3A_466 = tpu.memref_slice %arg6[%dma_wait3A_465] : memref<1280xi32, #tpu.memory_space<vmem>> -> memref<64xi32, #tpu.memory_space<vmem>>
      %dma_wait3A_467 = arith.constant 192 : i32
      %dma_wait3A_468 = tpu.memref_slice %arg5[%dma_wait3A_467] : memref<1280xi32, #tpu.memory_space<vmem>> -> memref<64xi32, #tpu.memory_space<vmem>>
      %dma_wait3A_469 = arith.constant 0 : i32
      %dma_wait3A_470 = tpu.memref_slice %arg2[%dma_wait3A_469] : memref<95000xi32, #tpu.memory_space<hbm>> -> memref<95000xi32, #tpu.memory_space<hbm>>
      tpu.wait_indirect_dma semaphore(%arg7 : memref<!tpu.dma_semaphore, #tpu.memory_space<semaphore_mem>>) src(%dma_wait3A_470 : memref<95000xi32, #tpu.memory_space<hbm>>) dst(%dma_wait3A_466 : memref<64xi32, #tpu.memory_space<vmem>>)
      %dma_wait3A_471 = arith.constant 256 : i32
      %dma_wait3A_472 = tpu.memref_slice %arg6[%dma_wait3A_471] : memref<1280xi32, #tpu.memory_space<vmem>> -> memref<64xi32, #tpu.memory_space<vmem>>
      %dma_wait3A_473 = arith.constant 256 : i32
      %dma_wait3A_474 = tpu.memref_slice %arg5[%dma_wait3A_473] : memref<1280xi32, #tpu.memory_space<vmem>> -> memref<64xi32, #tpu.memory_space<vmem>>
      %dma_wait3A_475 = arith.constant 0 : i32
      %dma_wait3A_476 = tpu.memref_slice %arg2[%dma_wait3A_475] : memref<95000xi32, #tpu.memory_space<hbm>> -> memref<95000xi32, #tpu.memory_space<hbm>>
      tpu.wait_indirect_dma semaphore(%arg7 : memref<!tpu.dma_semaphore, #tpu.memory_space<semaphore_mem>>) src(%dma_wait3A_476 : memref<95000xi32, #tpu.memory_space<hbm>>) dst(%dma_wait3A_472 : memref<64xi32, #tpu.memory_space<vmem>>)
      %dma_wait3A_477 = arith.constant 320 : i32
      %dma_wait3A_478 = tpu.memref_slice %arg6[%dma_wait3A_477] : memref<1280xi32, #tpu.memory_space<vmem>> -> memref<64xi32, #tpu.memory_space<vmem>>
      %dma_wait3A_479 = arith.constant 320 : i32
      %dma_wait3A_480 = tpu.memref_slice %arg5[%dma_wait3A_479] : memref<1280xi32, #tpu.memory_space<vmem>> -> memref<64xi32, #tpu.memory_space<vmem>>
      %dma_wait3A_481 = arith.constant 0 : i32
      %dma_wait3A_482 = tpu.memref_slice %arg2[%dma_wait3A_481] : memref<95000xi32, #tpu.memory_space<hbm>> -> memref<95000xi32, #tpu.memory_space<hbm>>
      tpu.wait_indirect_dma semaphore(%arg7 : memref<!tpu.dma_semaphore, #tpu.memory_space<semaphore_mem>>) src(%dma_wait3A_482 : memref<95000xi32, #tpu.memory_space<hbm>>) dst(%dma_wait3A_478 : memref<64xi32, #tpu.memory_space<vmem>>)
      %dma_wait3A_483 = arith.constant 384 : i32
      %dma_wait3A_484 = tpu.memref_slice %arg6[%dma_wait3A_483] : memref<1280xi32, #tpu.memory_space<vmem>> -> memref<64xi32, #tpu.memory_space<vmem>>
      %dma_wait3A_485 = arith.constant 384 : i32
      %dma_wait3A_486 = tpu.memref_slice %arg5[%dma_wait3A_485] : memref<1280xi32, #tpu.memory_space<vmem>> -> memref<64xi32, #tpu.memory_space<vmem>>
      %dma_wait3A_487 = arith.constant 0 : i32
      %dma_wait3A_488 = tpu.memref_slice %arg2[%dma_wait3A_487] : memref<95000xi32, #tpu.memory_space<hbm>> -> memref<95000xi32, #tpu.memory_space<hbm>>
      tpu.wait_indirect_dma semaphore(%arg7 : memref<!tpu.dma_semaphore, #tpu.memory_space<semaphore_mem>>) src(%dma_wait3A_488 : memref<95000xi32, #tpu.memory_space<hbm>>) dst(%dma_wait3A_484 : memref<64xi32, #tpu.memory_space<vmem>>)
      %dma_wait3A_489 = arith.constant 448 : i32
      %dma_wait3A_490 = tpu.memref_slice %arg6[%dma_wait3A_489] : memref<1280xi32, #tpu.memory_space<vmem>> -> memref<64xi32, #tpu.memory_space<vmem>>
      %dma_wait3A_491 = arith.constant 448 : i32
      %dma_wait3A_492 = tpu.memref_slice %arg5[%dma_wait3A_491] : memref<1280xi32, #tpu.memory_space<vmem>> -> memref<64xi32, #tpu.memory_space<vmem>>
      %dma_wait3A_493 = arith.constant 0 : i32
      %dma_wait3A_494 = tpu.memref_slice %arg2[%dma_wait3A_493] : memref<95000xi32, #tpu.memory_space<hbm>> -> memref<95000xi32, #tpu.memory_space<hbm>>
      tpu.wait_indirect_dma semaphore(%arg7 : memref<!tpu.dma_semaphore, #tpu.memory_space<semaphore_mem>>) src(%dma_wait3A_494 : memref<95000xi32, #tpu.memory_space<hbm>>) dst(%dma_wait3A_490 : memref<64xi32, #tpu.memory_space<vmem>>)
      %dma_wait3A_495 = arith.constant 512 : i32
      %dma_wait3A_496 = tpu.memref_slice %arg6[%dma_wait3A_495] : memref<1280xi32, #tpu.memory_space<vmem>> -> memref<64xi32, #tpu.memory_space<vmem>>
      %dma_wait3A_497 = arith.constant 512 : i32
      %dma_wait3A_498 = tpu.memref_slice %arg5[%dma_wait3A_497] : memref<1280xi32, #tpu.memory_space<vmem>> -> memref<64xi32, #tpu.memory_space<vmem>>
      %dma_wait3A_499 = arith.constant 0 : i32
      %dma_wait3A_500 = tpu.memref_slice %arg2[%dma_wait3A_499] : memref<95000xi32, #tpu.memory_space<hbm>> -> memref<95000xi32, #tpu.memory_space<hbm>>
      tpu.wait_indirect_dma semaphore(%arg7 : memref<!tpu.dma_semaphore, #tpu.memory_space<semaphore_mem>>) src(%dma_wait3A_500 : memref<95000xi32, #tpu.memory_space<hbm>>) dst(%dma_wait3A_496 : memref<64xi32, #tpu.memory_space<vmem>>)
      %dma_wait3A_501 = arith.constant 576 : i32
      %dma_wait3A_502 = tpu.memref_slice %arg6[%dma_wait3A_501] : memref<1280xi32, #tpu.memory_space<vmem>> -> memref<64xi32, #tpu.memory_space<vmem>>
      %dma_wait3A_503 = arith.constant 576 : i32
      %dma_wait3A_504 = tpu.memref_slice %arg5[%dma_wait3A_503] : memref<1280xi32, #tpu.memory_space<vmem>> -> memref<64xi32, #tpu.memory_space<vmem>>
      %dma_wait3A_505 = arith.constant 0 : i32
      %dma_wait3A_506 = tpu.memref_slice %arg2[%dma_wait3A_505] : memref<95000xi32, #tpu.memory_space<hbm>> -> memref<95000xi32, #tpu.memory_space<hbm>>
      tpu.wait_indirect_dma semaphore(%arg7 : memref<!tpu.dma_semaphore, #tpu.memory_space<semaphore_mem>>) src(%dma_wait3A_506 : memref<95000xi32, #tpu.memory_space<hbm>>) dst(%dma_wait3A_502 : memref<64xi32, #tpu.memory_space<vmem>>)
      %dma_wait3A_507 = arith.constant 640 : i32
      %dma_wait3A_508 = tpu.memref_slice %arg6[%dma_wait3A_507] : memref<1280xi32, #tpu.memory_space<vmem>> -> memref<64xi32, #tpu.memory_space<vmem>>
      %dma_wait3A_509 = arith.constant 640 : i32
      %dma_wait3A_510 = tpu.memref_slice %arg5[%dma_wait3A_509] : memref<1280xi32, #tpu.memory_space<vmem>> -> memref<64xi32, #tpu.memory_space<vmem>>
      %dma_wait3A_511 = arith.constant 0 : i32
      %dma_wait3A_512 = tpu.memref_slice %arg2[%dma_wait3A_511] : memref<95000xi32, #tpu.memory_space<hbm>> -> memref<95000xi32, #tpu.memory_space<hbm>>
      tpu.wait_indirect_dma semaphore(%arg7 : memref<!tpu.dma_semaphore, #tpu.memory_space<semaphore_mem>>) src(%dma_wait3A_512 : memref<95000xi32, #tpu.memory_space<hbm>>) dst(%dma_wait3A_508 : memref<64xi32, #tpu.memory_space<vmem>>)
      %dma_wait3A_513 = arith.constant 704 : i32
      %dma_wait3A_514 = tpu.memref_slice %arg6[%dma_wait3A_513] : memref<1280xi32, #tpu.memory_space<vmem>> -> memref<64xi32, #tpu.memory_space<vmem>>
      %dma_wait3A_515 = arith.constant 704 : i32
      %dma_wait3A_516 = tpu.memref_slice %arg5[%dma_wait3A_515] : memref<1280xi32, #tpu.memory_space<vmem>> -> memref<64xi32, #tpu.memory_space<vmem>>
      %dma_wait3A_517 = arith.constant 0 : i32
      %dma_wait3A_518 = tpu.memref_slice %arg2[%dma_wait3A_517] : memref<95000xi32, #tpu.memory_space<hbm>> -> memref<95000xi32, #tpu.memory_space<hbm>>
      tpu.wait_indirect_dma semaphore(%arg7 : memref<!tpu.dma_semaphore, #tpu.memory_space<semaphore_mem>>) src(%dma_wait3A_518 : memref<95000xi32, #tpu.memory_space<hbm>>) dst(%dma_wait3A_514 : memref<64xi32, #tpu.memory_space<vmem>>)
      %dma_wait3A_519 = arith.constant 768 : i32
      %dma_wait3A_520 = tpu.memref_slice %arg6[%dma_wait3A_519] : memref<1280xi32, #tpu.memory_space<vmem>> -> memref<64xi32, #tpu.memory_space<vmem>>
      %dma_wait3A_521 = arith.constant 768 : i32
      %dma_wait3A_522 = tpu.memref_slice %arg5[%dma_wait3A_521] : memref<1280xi32, #tpu.memory_space<vmem>> -> memref<64xi32, #tpu.memory_space<vmem>>
      %dma_wait3A_523 = arith.constant 0 : i32
      %dma_wait3A_524 = tpu.memref_slice %arg2[%dma_wait3A_523] : memref<95000xi32, #tpu.memory_space<hbm>> -> memref<95000xi32, #tpu.memory_space<hbm>>
      tpu.wait_indirect_dma semaphore(%arg7 : memref<!tpu.dma_semaphore, #tpu.memory_space<semaphore_mem>>) src(%dma_wait3A_524 : memref<95000xi32, #tpu.memory_space<hbm>>) dst(%dma_wait3A_520 : memref<64xi32, #tpu.memory_space<vmem>>)
      %add3A_525 = arith.constant 0 : i32
      %add3A_526 = arith.addi %add3A_525, %mul3A_2 : i32
      "tpu.region"() ({
        %run_scoped3A = tpu.sem_alloc : memref<!tpu.dma_semaphore, #tpu.memory_space<semaphore_mem>>
        %dma_start3A_533 = arith.constant 0 : i32
        %dma_start3A_534 = tpu.memref_slice %arg6[%dma_start3A_533] : memref<1280xi32, #tpu.memory_space<vmem>> -> memref<200xi32, #tpu.memory_space<vmem>>
        %dma_start3A_535 = tpu.memref_slice %arg3[%add3A_526] : memref<20000xi32, #tpu.memory_space<hbm>> -> memref<200xi32, #tpu.memory_space<hbm>>
        %dma_start3A_536 = tpu.memref_slice %arg3[%add3A_526] : memref<20000xi32, #tpu.memory_space<hbm>> -> memref<200xi32, #tpu.memory_space<hbm>>
        %dma_start3A_537 = arith.constant 0 : i32
        %dma_start3A_538 = tpu.memref_slice %arg6[%dma_start3A_537] : memref<1280xi32, #tpu.memory_space<vmem>> -> memref<200xi32, #tpu.memory_space<vmem>>
        tpu.enqueue_dma source(%dma_start3A_538 : memref<200xi32, #tpu.memory_space<vmem>>) target(%dma_start3A_536 : memref<200xi32, #tpu.memory_space<hbm>>) target_semaphore(%run_scoped3A : memref<!tpu.dma_semaphore, #tpu.memory_space<semaphore_mem>>)
        %dma_wait3A_539 = arith.constant 0 : i32
        %dma_wait3A_540 = tpu.memref_slice %arg6[%dma_wait3A_539] : memref<1280xi32, #tpu.memory_space<vmem>> -> memref<200xi32, #tpu.memory_space<vmem>>
        %dma_wait3A_541 = tpu.memref_slice %arg3[%add3A_526] : memref<20000xi32, #tpu.memory_space<hbm>> -> memref<200xi32, #tpu.memory_space<hbm>>
        %dma_wait3A_542 = tpu.memref_slice %arg3[%add3A_526] : memref<20000xi32, #tpu.memory_space<hbm>> -> memref<200xi32, #tpu.memory_space<hbm>>
        %dma_wait3A_543 = arith.constant 0 : i32
        %dma_wait3A_544 = tpu.memref_slice %arg6[%dma_wait3A_543] : memref<1280xi32, #tpu.memory_space<vmem>> -> memref<200xi32, #tpu.memory_space<vmem>>
        tpu.wait_dma2 semaphore(%run_scoped3A : memref<!tpu.dma_semaphore, #tpu.memory_space<semaphore_mem>>) src(%dma_wait3A_544 : memref<200xi32, #tpu.memory_space<vmem>>) dst(%dma_wait3A_542 : memref<200xi32, #tpu.memory_space<hbm>>)
        tpu.yield
      }) : () -> ()
      %add3A_527 = arith.constant 5000 : i32
      %add3A_528 = arith.addi %add3A_527, %mul3A_2 : i32
      "tpu.region"() ({
        %run_scoped3A = tpu.sem_alloc : memref<!tpu.dma_semaphore, #tpu.memory_space<semaphore_mem>>
        %dma_start3A_533 = arith.constant 208 : i32
        %dma_start3A_534 = tpu.memref_slice %arg6[%dma_start3A_533] : memref<1280xi32, #tpu.memory_space<vmem>> -> memref<200xi32, #tpu.memory_space<vmem>>
        %dma_start3A_535 = tpu.memref_slice %arg3[%add3A_528] : memref<20000xi32, #tpu.memory_space<hbm>> -> memref<200xi32, #tpu.memory_space<hbm>>
        %dma_start3A_536 = tpu.memref_slice %arg3[%add3A_528] : memref<20000xi32, #tpu.memory_space<hbm>> -> memref<200xi32, #tpu.memory_space<hbm>>
        %dma_start3A_537 = arith.constant 208 : i32
        %dma_start3A_538 = tpu.memref_slice %arg6[%dma_start3A_537] : memref<1280xi32, #tpu.memory_space<vmem>> -> memref<200xi32, #tpu.memory_space<vmem>>
        tpu.enqueue_dma source(%dma_start3A_538 : memref<200xi32, #tpu.memory_space<vmem>>) target(%dma_start3A_536 : memref<200xi32, #tpu.memory_space<hbm>>) target_semaphore(%run_scoped3A : memref<!tpu.dma_semaphore, #tpu.memory_space<semaphore_mem>>)
        %dma_wait3A_539 = arith.constant 208 : i32
        %dma_wait3A_540 = tpu.memref_slice %arg6[%dma_wait3A_539] : memref<1280xi32, #tpu.memory_space<vmem>> -> memref<200xi32, #tpu.memory_space<vmem>>
        %dma_wait3A_541 = tpu.memref_slice %arg3[%add3A_528] : memref<20000xi32, #tpu.memory_space<hbm>> -> memref<200xi32, #tpu.memory_space<hbm>>
        %dma_wait3A_542 = tpu.memref_slice %arg3[%add3A_528] : memref<20000xi32, #tpu.memory_space<hbm>> -> memref<200xi32, #tpu.memory_space<hbm>>
        %dma_wait3A_543 = arith.constant 208 : i32
        %dma_wait3A_544 = tpu.memref_slice %arg6[%dma_wait3A_543] : memref<1280xi32, #tpu.memory_space<vmem>> -> memref<200xi32, #tpu.memory_space<vmem>>
        tpu.wait_dma2 semaphore(%run_scoped3A : memref<!tpu.dma_semaphore, #tpu.memory_space<semaphore_mem>>) src(%dma_wait3A_544 : memref<200xi32, #tpu.memory_space<vmem>>) dst(%dma_wait3A_542 : memref<200xi32, #tpu.memory_space<hbm>>)
        tpu.yield
      }) : () -> ()
      %add3A_529 = arith.constant 10000 : i32
      %add3A_530 = arith.addi %add3A_529, %mul3A_2 : i32
      "tpu.region"() ({
        %run_scoped3A = tpu.sem_alloc : memref<!tpu.dma_semaphore, #tpu.memory_space<semaphore_mem>>
        %dma_start3A_533 = arith.constant 416 : i32
        %dma_start3A_534 = tpu.memref_slice %arg6[%dma_start3A_533] : memref<1280xi32, #tpu.memory_space<vmem>> -> memref<200xi32, #tpu.memory_space<vmem>>
        %dma_start3A_535 = tpu.memref_slice %arg3[%add3A_530] : memref<20000xi32, #tpu.memory_space<hbm>> -> memref<200xi32, #tpu.memory_space<hbm>>
        %dma_start3A_536 = tpu.memref_slice %arg3[%add3A_530] : memref<20000xi32, #tpu.memory_space<hbm>> -> memref<200xi32, #tpu.memory_space<hbm>>
        %dma_start3A_537 = arith.constant 416 : i32
        %dma_start3A_538 = tpu.memref_slice %arg6[%dma_start3A_537] : memref<1280xi32, #tpu.memory_space<vmem>> -> memref<200xi32, #tpu.memory_space<vmem>>
        tpu.enqueue_dma source(%dma_start3A_538 : memref<200xi32, #tpu.memory_space<vmem>>) target(%dma_start3A_536 : memref<200xi32, #tpu.memory_space<hbm>>) target_semaphore(%run_scoped3A : memref<!tpu.dma_semaphore, #tpu.memory_space<semaphore_mem>>)
        %dma_wait3A_539 = arith.constant 416 : i32
        %dma_wait3A_540 = tpu.memref_slice %arg6[%dma_wait3A_539] : memref<1280xi32, #tpu.memory_space<vmem>> -> memref<200xi32, #tpu.memory_space<vmem>>
        %dma_wait3A_541 = tpu.memref_slice %arg3[%add3A_530] : memref<20000xi32, #tpu.memory_space<hbm>> -> memref<200xi32, #tpu.memory_space<hbm>>
        %dma_wait3A_542 = tpu.memref_slice %arg3[%add3A_530] : memref<20000xi32, #tpu.memory_space<hbm>> -> memref<200xi32, #tpu.memory_space<hbm>>
        %dma_wait3A_543 = arith.constant 416 : i32
        %dma_wait3A_544 = tpu.memref_slice %arg6[%dma_wait3A_543] : memref<1280xi32, #tpu.memory_space<vmem>> -> memref<200xi32, #tpu.memory_space<vmem>>
        tpu.wait_dma2 semaphore(%run_scoped3A : memref<!tpu.dma_semaphore, #tpu.memory_space<semaphore_mem>>) src(%dma_wait3A_544 : memref<200xi32, #tpu.memory_space<vmem>>) dst(%dma_wait3A_542 : memref<200xi32, #tpu.memory_space<hbm>>)
        tpu.yield
      }) : () -> ()
      %add3A_531 = arith.constant 15000 : i32
      %add3A_532 = arith.addi %add3A_531, %mul3A_2 : i32
      "tpu.region"() ({
        %run_scoped3A = tpu.sem_alloc : memref<!tpu.dma_semaphore, #tpu.memory_space<semaphore_mem>>
        %dma_start3A_533 = arith.constant 624 : i32
        %dma_start3A_534 = tpu.memref_slice %arg6[%dma_start3A_533] : memref<1280xi32, #tpu.memory_space<vmem>> -> memref<200xi32, #tpu.memory_space<vmem>>
        %dma_start3A_535 = tpu.memref_slice %arg3[%add3A_532] : memref<20000xi32, #tpu.memory_space<hbm>> -> memref<200xi32, #tpu.memory_space<hbm>>
        %dma_start3A_536 = tpu.memref_slice %arg3[%add3A_532] : memref<20000xi32, #tpu.memory_space<hbm>> -> memref<200xi32, #tpu.memory_space<hbm>>
        %dma_start3A_537 = arith.constant 624 : i32
        %dma_start3A_538 = tpu.memref_slice %arg6[%dma_start3A_537] : memref<1280xi32, #tpu.memory_space<vmem>> -> memref<200xi32, #tpu.memory_space<vmem>>
        tpu.enqueue_dma source(%dma_start3A_538 : memref<200xi32, #tpu.memory_space<vmem>>) target(%dma_start3A_536 : memref<200xi32, #tpu.memory_space<hbm>>) target_semaphore(%run_scoped3A : memref<!tpu.dma_semaphore, #tpu.memory_space<semaphore_mem>>)
        %dma_wait3A_539 = arith.constant 624 : i32
        %dma_wait3A_540 = tpu.memref_slice %arg6[%dma_wait3A_539] : memref<1280xi32, #tpu.memory_space<vmem>> -> memref<200xi32, #tpu.memory_space<vmem>>
        %dma_wait3A_541 = tpu.memref_slice %arg3[%add3A_532] : memref<20000xi32, #tpu.memory_space<hbm>> -> memref<200xi32, #tpu.memory_space<hbm>>
        %dma_wait3A_542 = tpu.memref_slice %arg3[%add3A_532] : memref<20000xi32, #tpu.memory_space<hbm>> -> memref<200xi32, #tpu.memory_space<hbm>>
        %dma_wait3A_543 = arith.constant 624 : i32
        %dma_wait3A_544 = tpu.memref_slice %arg6[%dma_wait3A_543] : memref<1280xi32, #tpu.memory_space<vmem>> -> memref<200xi32, #tpu.memory_space<vmem>>
        tpu.wait_dma2 semaphore(%run_scoped3A : memref<!tpu.dma_semaphore, #tpu.memory_space<semaphore_mem>>) src(%dma_wait3A_544 : memref<200xi32, #tpu.memory_space<vmem>>) dst(%dma_wait3A_542 : memref<200xi32, #tpu.memory_space<hbm>>)
        tpu.yield
      }) : () -> ()
    } else {
    }
    return
  }
}

</mosaic_0001>

<sc_bundles>
// kernel: kernel.3.cloned.1.call-start
scs
__scs_entry_jumppad:
0x0: {  	(pc) =	sbr.rel $0x88, $3  }
0x1: {  	(tag) =	ssettag $0x0;
	lr =	simm.s32 $0x1  }
0x2: {  	[smem:$0x3F9F] =	sst lr;
	_ =	strace $0xD0000000  }
0x3: {  	_ = 	snop  }
0x4: {  	_ = 	snop  }
0x5: {  	_ = 	snop  }
0x6: {  	_ = 	snop  }
0x7: {  	_ = 	snop  }
__scs_overlays_trampoline_lowered:
0x8: {  	[smem:$0x3FAE] =	sst s0  }
0x9: {  	[smem:$0x3FAF] =	sst s1  }
0xa: {  	[smem:$0x3FB0] =	sst s2  }
0xb: {  	[smem:$0x3FB1] =	sst s3  }
0xc: {  	[smem:$0x3FB2] =	sst s4  }
0xd: {  	[smem:$0x3FB3] =	sst s5  }
0xe: {  	[smem:$0x3FB4] =	sst s6  }
0xf: {  	[smem:$0x3FB5] =	sst s7  }
0x10: {  	[smem:$0x3FB6] =	sst s8  }
0x11: {  	[smem:$0x3FB7] =	sst s9;
	s0 =	simm.s32 @!p0 $0x0  }
0x12: {  	s1 =	sld [smem:$0x3F9D];
	s0 =	simm.s32 @p0 $0x1  }
0x13: {  	[smem:$0x3FB8] =	sst s0;
	s0 =	simm.s32 @!p1 $0x0  }
0x14: {  	s2 =	sld [smem:$0x3F9C];
	s0 =	simm.s32 @p1 $0x1  }
0x15: {  	[smem:$0x3FB9] =	sst s0;
	s0 =	simm.s32 @!p2 $0x0  }
0x16: {  	s3 =	sld [smem:$0x3FDB];
	s0 =	simm.s32 @p2 $0x1  }
0x17: {  	s4 =	simm.s32 $0x1BF5;
	[smem:$0x3FBB] =	sst s0  }
0x18: {  	s0 =	sld [smem:$0x3F9E];
	_ =	swait.ge [sflag:s4], $0x0  }
0x19: {  	s7 =	sld [smem:$0x3F9F]  }
0x1a: {  	s8 =	sadd.s32 $0xFFFFE003, lr  }
0x1b: {  	s9 =	sadd.s32 $0xFFFFFEF7, lr;
	s5 =	simm.s32 $0xFFFFFFFF;
	p2 =	slt.u32 s8, $0xFFFFF086  }
0x1c: {  	p1 =	slt.u32 s9, $0xF7A;
	s5 =	simm.s32 @!p2 $0x0  }
0x1d: {  	s5 =	simm.s32 @p1 $0x1;
	p0 =	seq.s32 s7, s2  }
0x1e: {  	s7 =	smul.u32 @!p0 $0xF7A, s2;
	p2 =	seq.s32 @!p0 s5, $0x0  }
0x1f: {  	s9 =	smul.u32 $0xF7A, s1;
	s8 =	simm.s32 @!p0 $0x1BF5;
	p2 =	por !p2, p0  }
0x20: {  	[sflag:s8] =	ssyncset.s32 @!p0 $0xFFFFF086;
	s6 =	sadd.s32 @!p0 s3, s7;
	s7 =	simm.s32 @!p0 $0x108  }
0x21: {  	s3 =	sadd.s32 s3, s9;
	s6 =	sadd.s32 @!p0 $0x88, s6;
	s7 =	simm.s32 @p2 $0x1082  }
0x22: {  	[simem:s7], [sflag:s8] =	dma.local @!p0 [hbm:s6], $0xF7A  }
0x23: {  	s9 =	sor.u32 $0xD0000000, s2;
	s6 =	simm.s32 $0x108;
	_ =	swait.ge @!p0 [sflag:s8], $0x0  }
0x24: {  	s3 =	sadd.s32 $0x88, s3;
	s6 =	simm.s32 @!p1 $0x1082;
	[sflag:s4] =	ssyncset.s32 $0xFFFFF086  }
0x25: {  	[simem:s6], [sflag:s4] =	dma.local [hbm:s3], $0xF7A  }
0x26: {  	[smem:$0x3F9F] =	sst s1;
	(tag) =	ssettag s2;
	_ =	strace s9  }
0x27: {  	s1 =	sld [smem:$0x3FAF]  }
0x28: {  	s2 =	sld [smem:$0x3FB0]  }
0x29: {  	s4 =	sld [smem:$0x3FB2]  }
0x2a: {  	p0 =	seq.s32 s5, $0x0;
	s5 =	sld [smem:$0x3FB3]  }
0x2b: {  	s6 =	sld [smem:$0x3FB4]  }
0x2c: {  	s7 =	sld [smem:$0x3FB5]  }
0x2d: {  	s3 =	simm.s32 $0x108;
	s8 =	sld [smem:$0x3FB6]  }
0x2e: {  	s3 =	simm.s32 @!p0 $0x1082;
	s9 =	sld [smem:$0x3FB7]  }
0x2f: {  	lr =	sadd.s32 s0, s3;
	s0 =	sld [smem:$0x3FAE]  }
0x30: {  	s3 =	sld [smem:$0x3FB1]  }
0x31: {  	[smem:$0x3FBA] =	sst s10  }
0x32: {  	s10 =	sld [smem:$0x3FB8];
	_ =	sdelay $0x3  }
0x33: {  	p0 =	seq.s32 s10, $0x1;
	s10 =	sld [smem:$0x3FBA];
	_ =	sdelay $0x3  }
0x34: {  	[smem:$0x3FBA] =	sst s10  }
0x35: {  	s10 =	sld [smem:$0x3FB9];
	_ =	sdelay $0x3  }
0x36: {  	p1 =	seq.s32 s10, $0x1;
	s10 =	sld [smem:$0x3FBA];
	_ =	sdelay $0x3  }
0x37: {  	[smem:$0x3FBA] =	sst s10  }
0x38: {  	s10 =	sld [smem:$0x3FBB]  }
0x39: {  	_ = 	snop;
	(pc) =	sbr.ind lr, $3  }
0x3a: {  	_ = 	snop  }
0x3b: {  	_ = 	snop  }
0x3c: {  	p2 =	seq.s32 s10, $0x1;
	s10 =	sld [smem:$0x3FBA]  }
0x3d: {  	_ =	shalt  }
0x3e: {  	_ =	shalt  }
0x3f: {  	_ =	shalt  }
0x40: {  	_ =	shalt  }
0x41: {  	_ =	shalt  }
0x42: {  	_ =	shalt  }
0x43: {  	_ =	shalt  }
0x44: {  	_ =	shalt  }
0x45: {  	_ =	shalt  }
0x46: {  	_ =	shalt  }
0x47: {  	_ =	shalt  }
0x48: {  	_ =	shalt  }
0x49: {  	_ =	shalt  }
0x4a: {  	_ =	shalt  }
0x4b: {  	_ =	shalt  }
0x4c: {  	_ =	shalt  }
0x4d: {  	_ =	shalt  }
0x4e: {  	_ =	shalt  }
0x4f: {  	_ =	shalt  }
0x50: {  	_ =	shalt  }
0x51: {  	_ =	shalt  }
0x52: {  	_ =	shalt  }
0x53: {  	_ =	shalt  }
0x54: {  	_ =	shalt  }
0x55: {  	_ =	shalt  }
0x56: {  	_ =	shalt  }
0x57: {  	_ =	shalt  }
0x58: {  	_ =	shalt  }
0x59: {  	_ =	shalt  }
0x5a: {  	_ =	shalt  }
0x5b: {  	_ =	shalt  }
0x5c: {  	_ =	shalt  }
0x5d: {  	_ =	shalt  }
0x5e: {  	_ =	shalt  }
0x5f: {  	_ =	shalt  }
0x60: {  	_ =	shalt  }
0x61: {  	_ =	shalt  }
0x62: {  	_ =	shalt  }
0x63: {  	_ =	shalt  }
0x64: {  	_ =	shalt  }
0x65: {  	_ =	shalt  }
0x66: {  	_ =	shalt  }
0x67: {  	_ =	shalt  }
0x68: {  	_ =	shalt  }
0x69: {  	_ =	shalt  }
0x6a: {  	_ =	shalt  }
0x6b: {  	_ =	shalt  }
0x6c: {  	_ =	shalt  }
0x6d: {  	_ =	shalt  }
0x6e: {  	_ =	shalt  }
0x6f: {  	_ =	shalt  }
0x70: {  	_ =	shalt  }
0x71: {  	_ =	shalt  }
0x72: {  	_ =	shalt  }
0x73: {  	_ =	shalt  }
0x74: {  	_ =	shalt  }
0x75: {  	_ =	shalt  }
0x76: {  	_ =	shalt  }
0x77: {  	_ =	shalt  }
0x78: {  	_ =	shalt  }
0x79: {  	_ =	shalt  }
0x7a: {  	_ =	shalt  }
0x7b: {  	_ =	shalt  }
0x7c: {  	_ =	shalt  }
0x7d: {  	_ =	shalt  }
0x7e: {  	_ =	shalt  }
0x7f: {  	_ =	shalt  }
0x80: {  	_ =	shalt  }
0x81: {  	_ =	shalt  }
0x82: {  	_ =	shalt  }
0x83: {  	_ =	shalt  }
0x84: {  	_ =	shalt  }
0x85: {  	_ =	shalt  }
0x86: {  	_ =	shalt  }
0x87: {  	_ =	shalt  }
.Lfunc_end0:
.L_simem_size_0:
called_computation_lowered:
.L_overlay_start_0:
0x88: {  	s0 =	sld [smem:$0x3FD9]  }
0x89: {  	s1 =	sld [smem:$0x3FFE];
	_ =	sdelay $0x3  }
0x8a: {  	s0 =	sadd.s32 s1, s0  }
0x8b: {  	[smem:$0x3FC6] =	sst s0  }
0x8c: {  	_ = 	snop  }
0x8d: {  	s0 =	sld [smem:$0x3FD0];
	(tm) =	ssettm $0x1  }
0x8e: {  	s16 =	sld [smem:$0x3FFB];
	_ =	sdelay $0x3  }
0x8f: {  	_ =	strace s16  }
0x90: {  	s1 =	sld [smem:$0x3FFC];
	_ =	sdelay $0x3  }
0x91: {  	_ =	strace s1  }
0x92: {  	s1 =	sld [smem:$0x3FFD];
	_ =	sdelay $0x3  }
0x93: {  	_ =	strace s1  }
0x94: {  	_ =	strace $0x8FFFFFFF  }
0x95: {  	s17 =	sld [smem:$0x3FDB];
	_ =	sdelay $0x1  }
0x96: {  	s2 =	simm.s32 $_scs_section_size  }
0x97: {  	s3 =	simm.s32 $_size__tile_overlayer_lowered;
	s4 =	simm.s32 $_tile_overlayer_lowered  }
0x98: {  	s20 =	simm.s32 $0x1BFF;
	s19 =	sshll.u32 s4, $0x1;
	s1 =	sadd.s32 s2, s17  }
0x99: {  	s5 =	simm.s32 $0x0;
	s18 =	sshll.u32 s3, $0x1;
	s3 =	sadd.s32 s19, s1  }
0x9a: {  	[timem:s5], [sflag:s20] =	dma.local [hbm:s3], s18  }
0x9b: {  	_ =	swait.ge [sflag:s20], s18  }
0x9c: {  	s2 =	ssub.s32 $0x0, s18;
	[sflag:s20] =	ssyncset.done $0x0  }
0x9d: {  	[sflag:s20] =	ssyncadd.s32 s2;
	_ =	sdelay $0x1  }
0x9e: {  	s21 =	simm.s32 $0x1B8B  }
0x9f: {  	_ =	swait.ge [sflag:s21], $0x1  }
0xa0: {  	[sflag:s21] =	ssyncset.done $0x0  }
0xa1: {  	s23 =	simm.s32 $0x1B8E;
	s22 =	sld [smem:$0x3FFE];
	[sflag:s21] =	ssyncadd.s32 $0xFFFFFFFF  }
0xa2: {  	s24 =	simm.s32 $execute0_lowered;
	[smem:$0x3FD2] =	sst s23  }
0xa3: {  	s3 =	sshll.u32 s24, $0x1;
	_ =	strace $0x80000046;
	[dreg:$0x1] =	wrdreg $0xFFFFFFFF  }
0xa4: {  	s25 =	simm.s32 $_size_execute0_lowered;
	s1 =	sadd.s32 s1, s3;
	[dreg:$0x0] =	wrdreg $0x0  }
0xa5: {  	s3 =	sshll.u32 s25, $0x1;
	[dreg:$0x2] =	wrdreg s1  }
0xa6: {  	[dreg:$0x3] =	wrdreg s3  }
0xa7: {  	[dreg:$0x4] =	wrdreg $0xC0  }
0xa8: {  	_ =	task [dreg:s5], $0x5FFFF  }
0xa9: {  	[dreg:$0x1] =	wrdreg $0xFFFFFFFF  }
0xaa: {  	[dreg:$0x0] =	wrdreg $0x60  }
0xab: {  	[dreg:$0x2] =	wrdreg s22  }
0xac: {  	[dreg:$0x3] =	wrdreg s0  }
0xad: {  	[dreg:$0x4] =	wrdreg $0x9  }
0xae: {  	_ =	task.clear_ibuf [dreg:s5], $0x5FFFF;
	_ =	strace $0x90000046  }
0xaf: {  	s26 =	simm.s32 $0x9;
	_ =	strace $0x80000048  }
0xb0: {  	_ =	swait.ge [sflag:s26], $0x1  }
0xb1: {  	[sflag:s26] =	ssyncadd.s32 $0xFFFFFFFF  }
0xb2: {  	_ =	strace $0x90000048  }
0xb3: {  	_ =	sfence  }
0xb4: {  	s28 =	sld [smem:$0x0];
	_ =	sdelay $0x1  }
0xb5: {  	s29 =	srdreg.scid  }
0xb6: {  	s30 =	sshll.u32 s29, $0xD;
	s31 =	sshrl.u32 s29, $0x2  }
0xb7: {  	s2 =	sand.u32 $0x4000, s30;
	s1 =	sand.u32 $0x1, s29;
	s0 =	sadd.s32 s31, s28  }
0xb8: {  	s1 =	sor.u32 s2, s1;
	s0 =	sshll.u32 s0, $0x11  }
0xb9: {  	s0 =	sor.u32 s0, s1  }
0xba: {  	s0 =	sadd.s32 $0x8F2B, s0  }
0xbb: {  	[sflag:s0] =	ssyncadd.remote.s32 $0x1  }
0xbc: {  	_ =	sfence.sel $0xFFFF  }
0xbd: {  	[dreg:$0x0] =	wrdreg $0xFFFFFFFF;
	(pc) =	sbr.abs _section_cstart, $3  }
0xbe: {  	[dreg:$0x1] =	wrdreg $0xFFFFFFFF  }
0xbf: {  	_ =	task.clear_ibuf [dreg:s5], $0x2FFFF;
	_ =	strace $0x9FFFFFFF  }
0xc0: {  	(tm) =	ssettm $0x7FFFFFFF  }
0xc1: {  	_ =	shalt  }
tec
execute0_lowered:
.L_overlay_start_1:
0x0: {  	(tag) =	ssettag $0x1  }
0x1: {  	s1 =	stileid.u32  }
0x2: {  	p0 =	seq.s32 s1, $0xF  }
.Ltmp0:
0x3: {  	_ = 	snop;
	(pc) =	sbr.rel @!p0 .LBB2_1-.Ltmp0, $4  }
0x4: {  	s4 =	rddreg [dreg:$0x0]  }
0x5: {  	s3 =	rddreg [dreg:$0x1];
	s2 =	simm.s32 $0x0  }
0x6: {  	[smem:$0x7FF] =	sst s2  }
0x7: {  	s0 =	rddreg [dreg:$0x2];
	s4 =	sadd.s32 $0x400, s4;
	_ =	strace $0x80000047  }
0x8: {  	s5 =	sadd.s32 $0x73A, s4  }
0x9: {  	[tilespmem:s2], [sflag:$0x5] =	stream.linear.gather [hbm4b:s5+s2], $0xC8, $0x38;
	[tilespmem:$0xB40] =	vst v63  }
0xa: {  	s5 =	simm.s32 $0x5  }
0xb: {  	_ =	swait.ge [sflag:s5], $0xC8  }
0xc: {  	[sflag:s5] =	ssyncset.done $0x0  }
0xd: {  	[sflag:s5] =	ssyncadd.s32 $0xFFFFFF38  }
0xe: {  	v0 =	vld [tilespmem:$0x0];
	_ =	sdelay $0x3  }
0xf: {  	v1 =	vld [tilespmem:$0x10]  }
0x10: {  	vm0 =	vgt.s32 v0, $0x0  }
0x11: {  	v0 =	vnsel vm0, $0x0, v0  }
0x12: {  	v0 =	vmin.u32 v0, $0x4E1F  }
0x13: {  	v3 =	vld [tilespmem:$0x20];
	v2 =	vadd.s32 $0x3A98, v0  }
0x14: {  	vm4 =	vgt.s32 v1, $0x0;
	v54 =	vadd.s32 $0x88B8, v0;
	[tilespmem:$0x140] =	vst v2  }
0x15: {  	v1 =	vnsel vm4, $0x0, v1;
	v55 =	vadd.s32 $0xD6D8, v0;
	[tilespmem:$0x210] =	vst v54  }
0x16: {  	v1 =	vmin.u32 v1, $0x4E1F;
	v0 =	vadd.s32 $0x124F8, v0;
	[tilespmem:$0x2E0] =	vst v55  }
0x17: {  	v63 =	vld [tilespmem:$0x40];
	v56 =	vadd.s32 $0x3A98, v1;
	[tilespmem:$0x3B0] =	vst v0  }
0x18: {  	vm5 =	vgt.s32 v3, $0x0;
	v58 =	vadd.s32 $0x88B8, v1;
	[tilespmem:$0x150] =	vst v56  }
0x19: {  	v3 =	vnsel vm5, $0x0, v3;
	v59 =	vadd.s32 $0xD6D8, v1;
	[tilespmem:$0x220] =	vst v58  }
0x1a: {  	v61 =	vmin.u32 v3, $0x4E1F;
	v60 =	vadd.s32 $0x124F8, v1;
	[tilespmem:$0x2F0] =	vst v59  }
0x1b: {  	v16 =	vld [tilespmem:$0x60];
	v62 =	vadd.s32 $0x3A98, v61;
	[tilespmem:$0x3C0] =	vst v60  }
0x1c: {  	vm7 =	vgt.s32 v63, $0x0;
	v5 =	vadd.s32 $0x88B8, v61;
	[tilespmem:$0x160] =	vst v62  }
0x1d: {  	v3 =	vnsel vm7, $0x0, v63;
	v6 =	vadd.s32 $0xD6D8, v61;
	[tilespmem:$0x230] =	vst v5  }
0x1e: {  	v7 =	vadd.s32 $0x124F8, v61;
	v14 =	vmin.u32 v3, $0x4E1F;
	[tilespmem:$0x300] =	vst v6  }
0x1f: {  	v57 =	vld [tilespmem:$0x30];
	[tilespmem:$0x3D0] =	vst v7;
	v15 =	vadd.s32 $0x3A98, v14  }
0x20: {  	vm9 =	vgt.s32 v16, $0x0;
	v17 =	vadd.s32 $0x88B8, v14;
	[tilespmem:$0x180] =	vst v15  }
0x21: {  	v3 =	vnsel vm9, $0x0, v16;
	v18 =	vadd.s32 $0xD6D8, v14;
	[tilespmem:$0x250] =	vst v17  }
0x22: {  	v19 =	vadd.s32 $0x124F8, v14;
	v26 =	vmin.u32 v3, $0x4E1F;
	[tilespmem:$0x320] =	vst v18  }
0x23: {  	v28 =	vld [tilespmem:$0x80];
	[tilespmem:$0x3F0] =	vst v19;
	v27 =	vadd.s32 $0x3A98, v26  }
0x24: {  	vm6 =	vgt.s32 v57, $0x0;
	v29 =	vadd.s32 $0x88B8, v26;
	[tilespmem:$0x1A0] =	vst v27  }
0x25: {  	v2 =	vnsel vm6, $0x0, v57;
	v30 =	vadd.s32 $0xD6D8, v26;
	[tilespmem:$0x270] =	vst v29  }
0x26: {  	v8 =	vmin.u32 v2, $0x4E1F;
	v31 =	vadd.s32 $0x124F8, v26;
	[tilespmem:$0x340] =	vst v30  }
0x27: {  	v46 =	vld [tilespmem:$0xB0];
	v9 =	vadd.s32 $0x3A98, v8;
	[tilespmem:$0x410] =	vst v31  }
0x28: {  	vm11 =	vgt.s32 v28, $0x0;
	v11 =	vadd.s32 $0x88B8, v8;
	[tilespmem:$0x170] =	vst v9  }
0x29: {  	v3 =	vnsel vm11, $0x0, v28;
	v12 =	vadd.s32 $0xD6D8, v8;
	[tilespmem:$0x240] =	vst v11  }
0x2a: {  	v38 =	vmin.u32 v3, $0x4E1F;
	v13 =	vadd.s32 $0x124F8, v8;
	[tilespmem:$0x310] =	vst v12  }
0x2b: {  	v10 =	vld [tilespmem:$0x50];
	v39 =	vadd.s32 $0x3A98, v38;
	[tilespmem:$0x3E0] =	vst v13  }
0x2c: {  	vm14 =	vgt.s32 v46, $0x0;
	v41 =	vadd.s32 $0x88B8, v38;
	[tilespmem:$0x1C0] =	vst v39  }
0x2d: {  	v54 =	vnsel vm14, $0x0, v46;
	v42 =	vadd.s32 $0xD6D8, v38;
	[tilespmem:$0x290] =	vst v41  }
0x2e: {  	v0 =	vmin.u32 v54, $0x4E1F;
	v43 =	vadd.s32 $0x124F8, v38;
	[tilespmem:$0x360] =	vst v42  }
0x2f: {  	v40 =	vld [tilespmem:$0xA0];
	v56 =	vadd.s32 $0x3A98, v0;
	[tilespmem:$0x430] =	vst v43  }
0x30: {  	vm8 =	vgt.s32 v10, $0x0;
	v57 =	vadd.s32 $0x88B8, v0;
	[tilespmem:$0x1F0] =	vst v56  }
0x31: {  	v2 =	vnsel vm8, $0x0, v10;
	v59 =	vadd.s32 $0xD6D8, v0;
	[tilespmem:$0x2C0] =	vst v57  }
0x32: {  	v20 =	vmin.u32 v2, $0x4E1F;
	v0 =	vadd.s32 $0x124F8, v0;
	[tilespmem:$0x390] =	vst v59  }
0x33: {  	v22 =	vld [tilespmem:$0x70];
	v21 =	vadd.s32 $0x3A98, v20;
	[tilespmem:$0x460] =	vst v0  }
0x34: {  	vm13 =	vgt.s32 v40, $0x0;
	v23 =	vadd.s32 $0x88B8, v20;
	[tilespmem:$0x190] =	vst v21  }
0x35: {  	v3 =	vnsel vm13, $0x0, v40;
	v24 =	vadd.s32 $0xD6D8, v20;
	[tilespmem:$0x260] =	vst v23  }
0x36: {  	v50 =	vmin.u32 v3, $0x4E1F;
	v25 =	vadd.s32 $0x124F8, v20;
	[tilespmem:$0x330] =	vst v24  }
0x37: {  	v34 =	vld [tilespmem:$0x90];
	v51 =	vadd.s32 $0x3A98, v50;
	[tilespmem:$0x400] =	vst v25  }
0x38: {  	vm10 =	vgt.s32 v22, $0x0;
	v53 =	vadd.s32 $0x88B8, v50;
	[tilespmem:$0x1E0] =	vst v51  }
0x39: {  	v2 =	vnsel vm10, $0x0, v22;
	v55 =	vadd.s32 $0xD6D8, v50;
	[tilespmem:$0x2B0] =	vst v53  }
0x3a: {  	v32 =	vmin.u32 v2, $0x4E1F;
	v1 =	vadd.s32 $0x124F8, v50;
	[tilespmem:$0x380] =	vst v55  }
0x3b: {  	v52 =	vld [tilespmem:$0xC0];
	v33 =	vadd.s32 $0x3A98, v32;
	[tilespmem:$0x450] =	vst v1  }
0x3c: {  	vm12 =	vgt.s32 v34, $0x0;
	v35 =	vadd.s32 $0x88B8, v32;
	[tilespmem:$0x1B0] =	vst v33  }
0x3d: {  	v2 =	vnsel vm12, $0x0, v34;
	v36 =	vadd.s32 $0xD6D8, v32;
	[tilespmem:$0x280] =	vst v35  }
0x3e: {  	v37 =	vadd.s32 $0x124F8, v32;
	v44 =	vmin.u32 v2, $0x4E1F;
	[tilespmem:$0x350] =	vst v36  }
0x3f: {  	[tilespmem:$0x420] =	vst v37;
	v45 =	vadd.s32 $0x3A98, v44  }
0x40: {  	vm15 =	vgt.s32 v52, $0x0;
	v47 =	vadd.s32 $0x88B8, v44;
	[tilespmem:$0x1D0] =	vst v45  }
0x41: {  	v58 =	vnsel vm15, $0x0, v52;
	v48 =	vadd.s32 $0xD6D8, v44;
	[tilespmem:$0x2A0] =	vst v47  }
0x42: {  	v1 =	vmin.u32 v58, $0x4E1F;
	v49 =	vadd.s32 $0x124F8, v44;
	[tilespmem:$0x370] =	vst v48  }
0x43: {  	v60 =	vadd.s32 $0x3A98, v1;
	[tilespmem:$0x440] =	vst v49  }
0x44: {  	v61 =	vadd.s32 $0x88B8, v1;
	[tilespmem:$0x200] =	vst v60  }
0x45: {  	v62 =	vadd.s32 $0xD6D8, v1;
	[tilespmem:$0x2D0] =	vst v61  }
0x46: {  	v63 =	vadd.s32 $0x124F8, v1;
	[tilespmem:$0x3A0] =	vst v62  }
0x47: {  	s7 =	simm.s32 $0x40;
	s8 =	simm.s32 $0x140;
	s6 =	simm.s32 $0x640;
	[tilespmem:$0x470] =	vst v63  }
0x48: {  	[tilespmem:s6], [sflag:$0x1] =	stream.indirect.gather [hbm4b:s4+s7], $0x1, s8, s7, $0xb8;
	[tilespmem:$0xB40] =	vst v63  }
0x49: {  	s22 =	simm.s32 $0x180;
	s9 =	simm.s32 $0x680  }
0x4a: {  	[tilespmem:s9], [sflag:$0x1] =	stream.indirect.gather [hbm4b:s4+s7], $0x1, s22, s7, $0xb8;
	[tilespmem:$0xB40] =	vst v63  }
0x4b: {  	s23 =	simm.s32 $0x1C0;
	s24 =	simm.s32 $0x6C0  }
0x4c: {  	[tilespmem:s24], [sflag:$0x1] =	stream.indirect.gather [hbm4b:s4+s7], $0x1, s23, s7, $0xb8;
	[tilespmem:$0xB40] =	vst v63  }
0x4d: {  	s25 =	simm.s32 $0x200;
	s26 =	simm.s32 $0x700  }
0x4e: {  	[tilespmem:s26], [sflag:$0x1] =	stream.indirect.gather [hbm4b:s4+s7], $0x1, s25, s7, $0xb8;
	[tilespmem:$0xB40] =	vst v63  }
0x4f: {  	s28 =	simm.s32 $0x240;
	s29 =	simm.s32 $0x740  }
0x50: {  	[tilespmem:s29], [sflag:$0x1] =	stream.indirect.gather [hbm4b:s4+s7], $0x1, s28, s7, $0xb8;
	[tilespmem:$0xB40] =	vst v63  }
0x51: {  	s30 =	simm.s32 $0x280;
	s31 =	simm.s32 $0x780  }
0x52: {  	[tilespmem:s31], [sflag:$0x1] =	stream.indirect.gather [hbm4b:s4+s7], $0x1, s30, s7, $0xb8;
	[tilespmem:$0xB40] =	vst v63  }
0x53: {  	s10 =	simm.s32 $0x7C0;
	s9 =	simm.s32 $0x2C0  }
0x54: {  	[tilespmem:s10], [sflag:$0x1] =	stream.indirect.gather [hbm4b:s4+s7], $0x1, s9, s7, $0xb8;
	[tilespmem:$0xB40] =	vst v63  }
0x55: {  	s11 =	simm.s32 $0x300;
	s12 =	simm.s32 $0x800  }
0x56: {  	[tilespmem:s12], [sflag:$0x1] =	stream.indirect.gather [hbm4b:s4+s7], $0x1, s11, s7, $0xb8;
	[tilespmem:$0xB40] =	vst v63  }
0x57: {  	s13 =	simm.s32 $0x340;
	s14 =	simm.s32 $0x840  }
0x58: {  	[tilespmem:s14], [sflag:$0x1] =	stream.indirect.gather [hbm4b:s4+s7], $0x1, s13, s7, $0xb8;
	[tilespmem:$0xB40] =	vst v63  }
0x59: {  	s15 =	simm.s32 $0x380;
	s16 =	simm.s32 $0x880  }
0x5a: {  	[tilespmem:s16], [sflag:$0x1] =	stream.indirect.gather [hbm4b:s4+s7], $0x1, s15, s7, $0xb8;
	[tilespmem:$0xB40] =	vst v63  }
0x5b: {  	s17 =	simm.s32 $0x3C0;
	s18 =	simm.s32 $0x8C0  }
0x5c: {  	[tilespmem:s18], [sflag:$0x1] =	stream.indirect.gather [hbm4b:s4+s7], $0x1, s17, s7, $0xb8;
	[tilespmem:$0xB40] =	vst v63  }
0x5d: {  	s19 =	simm.s32 $0x400;
	s20 =	simm.s32 $0x900  }
0x5e: {  	[tilespmem:s20], [sflag:$0x1] =	stream.indirect.gather [hbm4b:s4+s7], $0x1, s19, s7, $0xb8;
	[tilespmem:$0xB40] =	vst v63  }
0x5f: {  	s21 =	simm.s32 $0x440;
	s22 =	simm.s32 $0x940;
	s23 =	simm.s32 $0x1  }
0x60: {  	[tilespmem:s22], [sflag:$0x1] =	stream.indirect.gather [hbm4b:s4+s7], $0x1, s21, s7, $0xb8;
	[tilespmem:$0xB40] =	vst v63  }
0x61: {  	_ =	swait.ge [sflag:s23], $0x40  }
0x62: {  	[sflag:s23] =	ssyncset.done $0x0  }
0x63: {  	[sflag:s23] =	ssyncadd.s32 $0xFFFFFFC0  }
0x64: {  	_ =	swait.ge [sflag:s23], $0x40  }
0x65: {  	[sflag:s23] =	ssyncset.done $0x0  }
0x66: {  	[sflag:s23] =	ssyncadd.s32 $0xFFFFFFC0  }
0x67: {  	_ =	swait.ge [sflag:s23], $0x40  }
0x68: {  	[sflag:s23] =	ssyncset.done $0x0  }
0x69: {  	[sflag:s23] =	ssyncadd.s32 $0xFFFFFFC0  }
0x6a: {  	_ =	swait.ge [sflag:s23], $0x40  }
0x6b: {  	[sflag:s23] =	ssyncset.done $0x0  }
0x6c: {  	[sflag:s23] =	ssyncadd.s32 $0xFFFFFFC0  }
0x6d: {  	_ =	swait.ge [sflag:s23], $0x40  }
0x6e: {  	[sflag:s23] =	ssyncset.done $0x0  }
0x6f: {  	[sflag:s23] =	ssyncadd.s32 $0xFFFFFFC0  }
0x70: {  	_ =	swait.ge [sflag:s23], $0x40  }
0x71: {  	[sflag:s23] =	ssyncset.done $0x0  }
0x72: {  	[sflag:s23] =	ssyncadd.s32 $0xFFFFFFC0  }
0x73: {  	_ =	swait.ge [sflag:s23], $0x40  }
0x74: {  	[sflag:s23] =	ssyncset.done $0x0  }
0x75: {  	[sflag:s23] =	ssyncadd.s32 $0xFFFFFFC0  }
0x76: {  	_ =	swait.ge [sflag:s23], $0x40  }
0x77: {  	[sflag:s23] =	ssyncset.done $0x0  }
0x78: {  	[sflag:s23] =	ssyncadd.s32 $0xFFFFFFC0  }
0x79: {  	_ =	swait.ge [sflag:s23], $0x40  }
0x7a: {  	[sflag:s23] =	ssyncset.done $0x0  }
0x7b: {  	[sflag:s23] =	ssyncadd.s32 $0xFFFFFFC0  }
0x7c: {  	_ =	swait.ge [sflag:s23], $0x40  }
0x7d: {  	[sflag:s23] =	ssyncset.done $0x0  }
0x7e: {  	[sflag:s23] =	ssyncadd.s32 $0xFFFFFFC0  }
0x7f: {  	_ =	swait.ge [sflag:s23], $0x40  }
0x80: {  	[sflag:s23] =	ssyncset.done $0x0  }
0x81: {  	[sflag:s23] =	ssyncadd.s32 $0xFFFFFFC0  }
0x82: {  	_ =	swait.ge [sflag:s23], $0x40  }
0x83: {  	[sflag:s23] =	ssyncset.done $0x0  }
0x84: {  	[sflag:s23] =	ssyncadd.s32 $0xFFFFFFC0  }
0x85: {  	_ =	swait.ge [sflag:s23], $0x40  }
0x86: {  	[sflag:s23] =	ssyncset.done $0x0  }
0x87: {  	s24 =	sadd.s32 $0x258, s3;
	[sflag:s23] =	ssyncadd.s32 $0xFFFFFFC0  }
0x88: {  	[hbm4b:s24+s2] =	stream.linear.scatter [tilespmem:s6], [sflag:$0x5], $0xC8, $0x38;
	[tilespmem:$0xB40] =	vst v63  }
0x89: {  	_ =	swait.ge [sflag:s5], $0xC8  }
0x8a: {  	[sflag:s5] =	ssyncset.done $0x0  }
0x8b: {  	s25 =	sadd.s32 $0x4C9, s3;
	s26 =	simm.s32 $0x710;
	[sflag:s5] =	ssyncadd.s32 $0xFFFFFF38  }
0x8c: {  	[hbm4b:s25+s2] =	stream.linear.scatter [tilespmem:s26], [sflag:$0x5], $0xC8, $0x38;
	[tilespmem:$0xB40] =	vst v63  }
0x8d: {  	_ =	swait.ge [sflag:s5], $0xC8  }
0x8e: {  	[sflag:s5] =	ssyncset.done $0x0  }
0x8f: {  	s28 =	sadd.s32 $0x73A, s3;
	s29 =	simm.s32 $0x7E0;
	[sflag:s5] =	ssyncadd.s32 $0xFFFFFF38  }
0x90: {  	[hbm4b:s28+s2] =	stream.linear.scatter [tilespmem:s29], [sflag:$0x5], $0xC8, $0x38;
	[tilespmem:$0xB40] =	vst v63  }
0x91: {  	_ =	swait.ge [sflag:s5], $0xC8  }
0x92: {  	s30 =	sadd.s32 $0x9AB, s3;
	[sflag:s5] =	ssyncset.done $0x0  }
.Ltmp1:
0x93: {  	s31 =	simm.s32 $0x8B0;
	[sflag:s5] =	ssyncadd.s32 $0xFFFFFF38;
	(pc) =	sbr.rel .LBB2_3-.Ltmp1, $4  }
0x94: {  	[hbm4b:s30+s2] =	stream.linear.scatter [tilespmem:s31], [sflag:$0x5], $0xC8, $0x38;
	[tilespmem:$0xB40] =	vst v63  }
0x95: {  	_ =	swait.ge [sflag:s5], $0xC8  }
0x96: {  	[sflag:s5] =	ssyncset.done $0x0  }
0x97: {  	[sflag:s5] =	ssyncadd.s32 $0xFFFFFF38  }
.LBB2_1:
0x98: {  	s6 =	smul.u32 $0x140, s1;
	_ =	sdelay $0x1  }
0x99: {  	s8 =	sshrl.u32 s6, $0x3  }
0x9a: {  	s7 =	sadd.s32 $0x4E2, s8  }
0x9b: {  	s5 =	sadd.s32 s4, s7  }
0x9c: {  	[tilespmem:s2], [sflag:$0x5] =	stream.linear.gather [hbm4b:s5+s2], $0x140, $0x38;
	[tilespmem:$0xB40] =	vst v63  }
0x9d: {  	s5 =	simm.s32 $0x5  }
0x9e: {  	_ =	swait.ge [sflag:s5], $0x140  }
0x9f: {  	[sflag:s5] =	ssyncset.done $0x0  }
0xa0: {  	[sflag:s5] =	ssyncadd.s32 $0xFFFFFEC0  }
0xa1: {  	v0 =	vld [tilespmem:$0x0];
	_ =	sdelay $0x3  }
0xa2: {  	v1 =	vld [tilespmem:$0x10]  }
0xa3: {  	v2 =	vadd.s32 $0x3A98, v0  }
0xa4: {  	v28 =	vadd.s32 $0x88B8, v0;
	[tilespmem:$0x140] =	vst v2  }
0xa5: {  	v29 =	vadd.s32 $0xD6D8, v0;
	[tilespmem:$0x280] =	vst v28  }
0xa6: {  	v30 =	vld [tilespmem:$0x20];
	v0 =	vadd.s32 $0x124F8, v0;
	[tilespmem:$0x3C0] =	vst v29  }
0xa7: {  	v31 =	vadd.s32 $0x3A98, v1;
	[tilespmem:$0x500] =	vst v0  }
0xa8: {  	v32 =	vadd.s32 $0x88B8, v1;
	[tilespmem:$0x150] =	vst v31  }
0xa9: {  	v33 =	vadd.s32 $0xD6D8, v1;
	[tilespmem:$0x290] =	vst v32  }
0xaa: {  	v35 =	vld [tilespmem:$0x30];
	v34 =	vadd.s32 $0x124F8, v1;
	[tilespmem:$0x3D0] =	vst v33  }
0xab: {  	v36 =	vadd.s32 $0x3A98, v30;
	[tilespmem:$0x510] =	vst v34  }
0xac: {  	v37 =	vadd.s32 $0x88B8, v30;
	[tilespmem:$0x160] =	vst v36  }
0xad: {  	v38 =	vadd.s32 $0xD6D8, v30;
	[tilespmem:$0x2A0] =	vst v37  }
0xae: {  	v40 =	vld [tilespmem:$0x40];
	v39 =	vadd.s32 $0x124F8, v30;
	[tilespmem:$0x3E0] =	vst v38  }
0xaf: {  	v41 =	vadd.s32 $0x3A98, v35;
	[tilespmem:$0x520] =	vst v39  }
0xb0: {  	v42 =	vadd.s32 $0x88B8, v35;
	[tilespmem:$0x170] =	vst v41  }
0xb1: {  	v43 =	vadd.s32 $0xD6D8, v35;
	[tilespmem:$0x2B0] =	vst v42  }
0xb2: {  	v45 =	vld [tilespmem:$0x50];
	v44 =	vadd.s32 $0x124F8, v35;
	[tilespmem:$0x3F0] =	vst v43  }
0xb3: {  	v46 =	vadd.s32 $0x3A98, v40;
	[tilespmem:$0x530] =	vst v44  }
0xb4: {  	v47 =	vadd.s32 $0x88B8, v40;
	[tilespmem:$0x180] =	vst v46  }
0xb5: {  	v48 =	vadd.s32 $0xD6D8, v40;
	[tilespmem:$0x2C0] =	vst v47  }
0xb6: {  	v50 =	vld [tilespmem:$0x60];
	v49 =	vadd.s32 $0x124F8, v40;
	[tilespmem:$0x400] =	vst v48  }
0xb7: {  	v51 =	vadd.s32 $0x3A98, v45;
	[tilespmem:$0x540] =	vst v49  }
0xb8: {  	v52 =	vadd.s32 $0x88B8, v45;
	[tilespmem:$0x190] =	vst v51  }
0xb9: {  	v53 =	vadd.s32 $0xD6D8, v45;
	[tilespmem:$0x2D0] =	vst v52  }
0xba: {  	v55 =	vld [tilespmem:$0x70];
	v54 =	vadd.s32 $0x124F8, v45;
	[tilespmem:$0x410] =	vst v53  }
0xbb: {  	v56 =	vadd.s32 $0x3A98, v50;
	[tilespmem:$0x550] =	vst v54  }
0xbc: {  	v57 =	vadd.s32 $0x88B8, v50;
	[tilespmem:$0x1A0] =	vst v56  }
0xbd: {  	v58 =	vadd.s32 $0xD6D8, v50;
	[tilespmem:$0x2E0] =	vst v57  }
0xbe: {  	v60 =	vld [tilespmem:$0x80];
	v59 =	vadd.s32 $0x124F8, v50;
	[tilespmem:$0x420] =	vst v58  }
0xbf: {  	v61 =	vadd.s32 $0x3A98, v55;
	[tilespmem:$0x560] =	vst v59  }
0xc0: {  	v62 =	vadd.s32 $0x88B8, v55;
	[tilespmem:$0x1B0] =	vst v61  }
0xc1: {  	v63 =	vadd.s32 $0xD6D8, v55;
	[tilespmem:$0x2F0] =	vst v62  }
0xc2: {  	v5 =	vld [tilespmem:$0x90];
	v4 =	vadd.s32 $0x124F8, v55;
	[tilespmem:$0x430] =	vst v63  }
0xc3: {  	v6 =	vadd.s32 $0x3A98, v60;
	[tilespmem:$0x570] =	vst v4  }
0xc4: {  	v7 =	vadd.s32 $0x88B8, v60;
	[tilespmem:$0x1C0] =	vst v6  }
0xc5: {  	v8 =	vadd.s32 $0xD6D8, v60;
	[tilespmem:$0x300] =	vst v7  }
0xc6: {  	v10 =	vld [tilespmem:$0xA0];
	v9 =	vadd.s32 $0x124F8, v60;
	[tilespmem:$0x440] =	vst v8  }
0xc7: {  	v11 =	vadd.s32 $0x3A98, v5;
	[tilespmem:$0x580] =	vst v9  }
0xc8: {  	v12 =	vadd.s32 $0x88B8, v5;
	[tilespmem:$0x1D0] =	vst v11  }
0xc9: {  	v13 =	vadd.s32 $0xD6D8, v5;
	[tilespmem:$0x310] =	vst v12  }
0xca: {  	v15 =	vld [tilespmem:$0xB0];
	v14 =	vadd.s32 $0x124F8, v5;
	[tilespmem:$0x450] =	vst v13  }
0xcb: {  	v16 =	vadd.s32 $0x3A98, v10;
	[tilespmem:$0x590] =	vst v14  }
0xcc: {  	v17 =	vadd.s32 $0x88B8, v10;
	[tilespmem:$0x1E0] =	vst v16  }
0xcd: {  	v18 =	vadd.s32 $0xD6D8, v10;
	[tilespmem:$0x320] =	vst v17  }
0xce: {  	v20 =	vld [tilespmem:$0xC0];
	v19 =	vadd.s32 $0x124F8, v10;
	[tilespmem:$0x460] =	vst v18  }
0xcf: {  	v21 =	vadd.s32 $0x3A98, v15;
	[tilespmem:$0x5A0] =	vst v19  }
0xd0: {  	v22 =	vadd.s32 $0x88B8, v15;
	[tilespmem:$0x1F0] =	vst v21  }
0xd1: {  	v23 =	vadd.s32 $0xD6D8, v15;
	[tilespmem:$0x330] =	vst v22  }
0xd2: {  	v25 =	vld [tilespmem:$0xD0];
	v24 =	vadd.s32 $0x124F8, v15;
	[tilespmem:$0x470] =	vst v23  }
0xd3: {  	v26 =	vadd.s32 $0x3A98, v20;
	[tilespmem:$0x5B0] =	vst v24  }
0xd4: {  	v27 =	vadd.s32 $0x88B8, v20;
	[tilespmem:$0x200] =	vst v26  }
0xd5: {  	[tilespmem:$0x340] =	vst v27;
	v28 =	vadd.s32 $0xD6D8, v20  }
0xd6: {  	v30 =	vld [tilespmem:$0xE0];
	v29 =	vadd.s32 $0x124F8, v20;
	[tilespmem:$0x480] =	vst v28  }
0xd7: {  	v31 =	vadd.s32 $0x3A98, v25;
	[tilespmem:$0x5C0] =	vst v29  }
0xd8: {  	v32 =	vadd.s32 $0x88B8, v25;
	[tilespmem:$0x210] =	vst v31  }
0xd9: {  	v33 =	vadd.s32 $0xD6D8, v25;
	[tilespmem:$0x350] =	vst v32  }
0xda: {  	v35 =	vld [tilespmem:$0xF0];
	v34 =	vadd.s32 $0x124F8, v25;
	[tilespmem:$0x490] =	vst v33  }
0xdb: {  	[tilespmem:$0x5D0] =	vst v34;
	v36 =	vadd.s32 $0x3A98, v30  }
0xdc: {  	v37 =	vadd.s32 $0x88B8, v30;
	[tilespmem:$0x220] =	vst v36  }
0xdd: {  	v38 =	vadd.s32 $0xD6D8, v30;
	[tilespmem:$0x360] =	vst v37  }
0xde: {  	v40 =	vld [tilespmem:$0x100];
	v39 =	vadd.s32 $0x124F8, v30;
	[tilespmem:$0x4A0] =	vst v38  }
0xdf: {  	v41 =	vadd.s32 $0x3A98, v35;
	[tilespmem:$0x5E0] =	vst v39  }
0xe0: {  	v42 =	vadd.s32 $0x88B8, v35;
	[tilespmem:$0x230] =	vst v41  }
0xe1: {  	v43 =	vadd.s32 $0xD6D8, v35;
	[tilespmem:$0x370] =	vst v42  }
0xe2: {  	v45 =	vld [tilespmem:$0x110];
	v44 =	vadd.s32 $0x124F8, v35;
	[tilespmem:$0x4B0] =	vst v43  }
0xe3: {  	v46 =	vadd.s32 $0x3A98, v40;
	[tilespmem:$0x5F0] =	vst v44  }
0xe4: {  	v47 =	vadd.s32 $0x88B8, v40;
	[tilespmem:$0x240] =	vst v46  }
0xe5: {  	v48 =	vadd.s32 $0xD6D8, v40;
	[tilespmem:$0x380] =	vst v47  }
0xe6: {  	v50 =	vld [tilespmem:$0x120];
	v49 =	vadd.s32 $0x124F8, v40;
	[tilespmem:$0x4C0] =	vst v48  }
0xe7: {  	v51 =	vadd.s32 $0x3A98, v45;
	[tilespmem:$0x600] =	vst v49  }
0xe8: {  	v52 =	vadd.s32 $0x88B8, v45;
	[tilespmem:$0x250] =	vst v51  }
0xe9: {  	v53 =	vadd.s32 $0xD6D8, v45;
	[tilespmem:$0x390] =	vst v52  }
0xea: {  	v55 =	vld [tilespmem:$0x130];
	v54 =	vadd.s32 $0x124F8, v45;
	[tilespmem:$0x4D0] =	vst v53  }
0xeb: {  	v56 =	vadd.s32 $0x3A98, v50;
	[tilespmem:$0x610] =	vst v54  }
0xec: {  	v57 =	vadd.s32 $0x88B8, v50;
	[tilespmem:$0x260] =	vst v56  }
0xed: {  	v58 =	vadd.s32 $0xD6D8, v50;
	[tilespmem:$0x3A0] =	vst v57  }
0xee: {  	v59 =	vadd.s32 $0x124F8, v50;
	[tilespmem:$0x4E0] =	vst v58  }
0xef: {  	v60 =	vadd.s32 $0x3A98, v55;
	[tilespmem:$0x620] =	vst v59  }
0xf0: {  	v61 =	vadd.s32 $0x88B8, v55;
	[tilespmem:$0x270] =	vst v60  }
0xf1: {  	v62 =	vadd.s32 $0xD6D8, v55;
	[tilespmem:$0x3B0] =	vst v61  }
0xf2: {  	v63 =	vadd.s32 $0x124F8, v55;
	[tilespmem:$0x4F0] =	vst v62  }
0xf3: {  	s10 =	simm.s32 $0x80;
	s9 =	simm.s32 $0x140;
	s11 =	simm.s32 $0x640;
	[tilespmem:$0x630] =	vst v63  }
0xf4: {  	[tilespmem:s11], [sflag:$0x1] =	stream.indirect.gather [hbm4b:s4+s10], $0x1, s9, s10, $0xb8;
	[tilespmem:$0xB40] =	vst v63  }
0xf5: {  	s23 =	simm.s32 $0x1C0;
	s12 =	simm.s32 $0x6C0  }
0xf6: {  	[tilespmem:s12], [sflag:$0x1] =	stream.indirect.gather [hbm4b:s4+s10], $0x1, s23, s10, $0xb8;
	[tilespmem:$0xB40] =	vst v63  }
0xf7: {  	s24 =	simm.s32 $0x240;
	s13 =	simm.s32 $0x740;
	s12 =	simm.s32 $0x40  }
0xf8: {  	[tilespmem:s13], [sflag:$0x1] =	stream.indirect.gather [hbm4b:s4+s12], $0x1, s24, s12, $0xb8;
	[tilespmem:$0xB40] =	vst v63  }
0xf9: {  	s25 =	simm.s32 $0x280;
	s13 =	simm.s32 $0x780  }
0xfa: {  	[tilespmem:s13], [sflag:$0x2] =	stream.indirect.gather [hbm4b:s4+s10], $0x1, s25, s10, $0xb8;
	[tilespmem:$0xB40] =	vst v63  }
0xfb: {  	s26 =	simm.s32 $0x300;
	s14 =	simm.s32 $0x800  }
0xfc: {  	[tilespmem:s14], [sflag:$0x2] =	stream.indirect.gather [hbm4b:s4+s10], $0x1, s26, s10, $0xb8;
	[tilespmem:$0xB40] =	vst v63  }
0xfd: {  	s28 =	simm.s32 $0x380;
	s29 =	simm.s32 $0x880  }
0xfe: {  	[tilespmem:s29], [sflag:$0x2] =	stream.indirect.gather [hbm4b:s4+s12], $0x1, s28, s12, $0xb8;
	[tilespmem:$0xB40] =	vst v63  }
0xff: {  	s30 =	simm.s32 $0x3C0;
	s31 =	simm.s32 $0x8C0  }
0x100: {  	[tilespmem:s31], [sflag:$0x3] =	stream.indirect.gather [hbm4b:s4+s10], $0x1, s30, s10, $0xb8;
	[tilespmem:$0xB40] =	vst v63  }
0x101: {  	s17 =	simm.s32 $0x440;
	s15 =	simm.s32 $0x940  }
0x102: {  	[tilespmem:s15], [sflag:$0x3] =	stream.indirect.gather [hbm4b:s4+s10], $0x1, s17, s10, $0xb8;
	[tilespmem:$0xB40] =	vst v63  }
0x103: {  	s18 =	simm.s32 $0x4C0;
	s19 =	simm.s32 $0x9C0  }
0x104: {  	[tilespmem:s19], [sflag:$0x3] =	stream.indirect.gather [hbm4b:s4+s12], $0x1, s18, s12, $0xb8;
	[tilespmem:$0xB40] =	vst v63  }
0x105: {  	s20 =	simm.s32 $0x500;
	s21 =	simm.s32 $0xA00  }
0x106: {  	[tilespmem:s21], [sflag:$0x4] =	stream.indirect.gather [hbm4b:s4+s10], $0x1, s20, s10, $0xb8;
	[tilespmem:$0xB40] =	vst v63  }
0x107: {  	s22 =	simm.s32 $0x580;
	s16 =	simm.s32 $0xA80  }
0x108: {  	[tilespmem:s16], [sflag:$0x4] =	stream.indirect.gather [hbm4b:s4+s10], $0x1, s22, s10, $0xb8;
	[tilespmem:$0xB40] =	vst v63  }
0x109: {  	s23 =	simm.s32 $0x600;
	s24 =	simm.s32 $0xB00;
	s25 =	simm.s32 $0x1  }
0x10a: {  	[tilespmem:s24], [sflag:$0x4] =	stream.indirect.gather [hbm4b:s4+s12], $0x1, s23, s12, $0xb8;
	[tilespmem:$0xB40] =	vst v63  }
0x10b: {  	_ =	swait.ge [sflag:s25], $0x80  }
0x10c: {  	[sflag:s25] =	ssyncset.done $0x0  }
0x10d: {  	[sflag:s25] =	ssyncadd.s32 $0xFFFFFF80  }
0x10e: {  	_ =	swait.ge [sflag:s25], $0x80  }
0x10f: {  	[sflag:s25] =	ssyncset.done $0x0  }
0x110: {  	[sflag:s25] =	ssyncadd.s32 $0xFFFFFF80  }
0x111: {  	_ =	swait.ge [sflag:s25], $0x40  }
0x112: {  	[sflag:s25] =	ssyncset.done $0x0  }
0x113: {  	s8 =	sadd.s32 s3, s8;
	[sflag:s25] =	ssyncadd.s32 $0xFFFFFFC0  }
0x114: {  	[hbm4b:s8+s2] =	stream.linear.scatter [tilespmem:s11], [sflag:$0x5], $0x140, $0x38;
	[tilespmem:$0xB40] =	vst v63  }
0x115: {  	_ =	swait.ge [sflag:s5], $0x140  }
0x116: {  	[sflag:s5] =	ssyncset.done $0x0  }
0x117: {  	s26 =	simm.s32 $0x2;
	[sflag:s5] =	ssyncadd.s32 $0xFFFFFEC0  }
0x118: {  	_ =	swait.ge [sflag:s26], $0x80  }
0x119: {  	[sflag:s26] =	ssyncset.done $0x0  }
0x11a: {  	[sflag:s26] =	ssyncadd.s32 $0xFFFFFF80  }
0x11b: {  	_ =	swait.ge [sflag:s26], $0x80  }
0x11c: {  	[sflag:s26] =	ssyncset.done $0x0  }
0x11d: {  	[sflag:s26] =	ssyncadd.s32 $0xFFFFFF80  }
0x11e: {  	s28 =	sadd.s32 $0x1388, s6;
	_ =	swait.ge [sflag:s26], $0x40  }
0x11f: {  	s8 =	sshrl.u32 s28, $0x3;
	[sflag:s26] =	ssyncset.done $0x0  }
0x120: {  	s8 =	sadd.s32 s3, s8;
	[sflag:s26] =	ssyncadd.s32 $0xFFFFFFC0  }
0x121: {  	[hbm4b:s8+s2] =	stream.linear.scatter [tilespmem:s13], [sflag:$0x5], $0x140, $0x38;
	[tilespmem:$0xB40] =	vst v63  }
0x122: {  	_ =	swait.ge [sflag:s5], $0x140  }
0x123: {  	[sflag:s5] =	ssyncset.done $0x0  }
0x124: {  	s29 =	simm.s32 $0x3;
	[sflag:s5] =	ssyncadd.s32 $0xFFFFFEC0  }
0x125: {  	_ =	swait.ge [sflag:s29], $0x80  }
0x126: {  	[sflag:s29] =	ssyncset.done $0x0  }
0x127: {  	[sflag:s29] =	ssyncadd.s32 $0xFFFFFF80  }
0x128: {  	_ =	swait.ge [sflag:s29], $0x80  }
0x129: {  	[sflag:s29] =	ssyncset.done $0x0  }
0x12a: {  	[sflag:s29] =	ssyncadd.s32 $0xFFFFFF80  }
0x12b: {  	_ =	swait.ge [sflag:s29], $0x40  }
0x12c: {  	[sflag:s29] =	ssyncset.done $0x0  }
0x12d: {  	s7 =	sadd.s32 s3, s7;
	[sflag:s29] =	ssyncadd.s32 $0xFFFFFFC0  }
0x12e: {  	[hbm4b:s7+s2] =	stream.linear.scatter [tilespmem:s31], [sflag:$0x5], $0x140, $0x38;
	[tilespmem:$0xB40] =	vst v63  }
0x12f: {  	_ =	swait.ge [sflag:s5], $0x140  }
0x130: {  	[sflag:s5] =	ssyncset.done $0x0  }
0x131: {  	s30 =	simm.s32 $0x4;
	[sflag:s5] =	ssyncadd.s32 $0xFFFFFEC0  }
0x132: {  	_ =	swait.ge [sflag:s30], $0x80  }
0x133: {  	[sflag:s30] =	ssyncset.done $0x0  }
0x134: {  	[sflag:s30] =	ssyncadd.s32 $0xFFFFFF80  }
0x135: {  	_ =	swait.ge [sflag:s30], $0x80  }
0x136: {  	[sflag:s30] =	ssyncset.done $0x0  }
0x137: {  	[sflag:s30] =	ssyncadd.s32 $0xFFFFFF80  }
0x138: {  	s6 =	sadd.s32 $0x3A98, s6;
	_ =	swait.ge [sflag:s30], $0x40  }
0x139: {  	s6 =	sshrl.u32 s6, $0x3;
	[sflag:s30] =	ssyncset.done $0x0  }
0x13a: {  	s31 =	sadd.s32 s3, s6;
	[sflag:s30] =	ssyncadd.s32 $0xFFFFFFC0  }
0x13b: {  	[hbm4b:s31+s2] =	stream.linear.scatter [tilespmem:s21], [sflag:$0x5], $0x140, $0x38;
	[tilespmem:$0xB40] =	vst v63  }
0x13c: {  	_ =	swait.ge [sflag:s5], $0x140  }
0x13d: {  	[sflag:s5] =	ssyncset.done $0x0  }
0x13e: {  	[sflag:s5] =	ssyncadd.s32 $0xFFFFFEC0  }
.LBB2_3:
0x13f: {  	_ =	sfence.sel $0x180000  }
0x140: {  	[bflag:$0x0] =	sbarrier.arrive $0xFFFF  }
0x141: {  	p0 =	sne.s32 s1, $0x0;
	_ =	strace $0x90000047  }
0x142: {  	s0 =	sadd.s32 @!p0 $0x100000, s0;
	[bflag:$0x2] =	sbarrier.arrive $0xFFFF  }
0x143: {  	[sflag:s0] =	ssyncadd.tile.s32 @!p0 $0x1;
	_ =	shalt  }
.Lfunc_end2:
_tile_overlayer_lowered:
.L_overlay_start_2:
0x144: {  	(tag) =	ssettag $0x2  }
0x145: {  	s0 =	rddreg [dreg:$0x0];
	s2 =	stileid.u32  }
0x146: {  	s1 =	rddreg [dreg:$0x1];
	p0 =	sne.s32 s2, $0x0  }
0x147: {  	s3 =	rddreg [dreg:$0x2];
	[bflag:$0x3] =	sbarrier.arrive $0xFFFF;
	s2 =	simm.s32 @!p0 $0x1C05  }
0x148: {  	[timem:s3], [sflag:s2] =	dma.local @!p0 [hbm:s0], s1  }
0x149: {  	s0 =	simm.s32 @!p0 $0x5  }
0x14a: {  	_ =	swait.ge @!p0 [sflag:s0], s1  }
0x14b: {  	s1 =	ssub.s32 @!p0 $0x0, s1;
	[sflag:s0] =	ssyncset.done @!p0 $0x0  }
0x14c: {  	[sflag:s0] =	ssyncadd.s32 @!p0 s1  }
0x14d: {  	[bflag:$0x3] =	sbarrier.arrive $0xFFFF  }
0x14e: {  	_ =	shalt  }

</sc_bundles>
